<compile_context>
chip_gen: v7x
topology: tpu7x:2x2x1
jax: 0.10.2.dev20260603
libtpu: 0.0.44.dev20260713+nightly
codegen_flags: <defaults>
</compile_context>

<pallas_src>
import jax
import jax.numpy as jnp
from jax.experimental import pallas as pl
from jax.experimental.pallas import tpu as pltpu

_B = 4
_N = 20000
_NP = 20480
_K = 4096
_OUT = 512
_T = 128
_NB = _K // _T
_CAND = 768
_CTARGET = 696
_THRESH = 0.8


def _greedy_pass(width, nblocks, get_blk, x1, x2, y1, y2, area, act_ref,
                 roi_ref, rsc_ref, rlb_ref):
    eye = (jax.lax.broadcasted_iota(jnp.int32, (_T, _T), 0)
           == jax.lax.broadcasted_iota(jnp.int32, (_T, _T), 1)).astype(jnp.float32)
    low = (jax.lax.broadcasted_iota(jnp.int32, (_T, _T), 0)
           > jax.lax.broadcasted_iota(jnp.int32, (_T, _T), 1)).astype(jnp.float32)
    col_i = jax.lax.broadcasted_iota(jnp.int32, (1, width), 1)
    r_iota = jax.lax.broadcasted_iota(jnp.int32, (1, _OUT), 1).astype(jnp.float32)

    def row_to_col(r):
        return jnp.sum(eye * r, axis=1, keepdims=True)

    def block_body(carry):
        b, offs, roi_acc, sc_acc, lb_acc = carry
        off = b * _T
        blk, sblk, lblk = get_blk(off)
        xbr = blk[0:1, :]
        ybr = blk[1:2, :]
        dxb = jnp.abs(blk[3:4, :])
        dyb = jnp.abs(blk[4:5, :])
        x1c = xbr - dxb * 0.5
        x2c = xbr + dxb * 0.5
        y1c = ybr - dyb * 0.5
        y2c = ybr + dyb * 0.5
        areac = dxb * dyb
        x1r = row_to_col(x1c)
        x2r = row_to_col(x2c)
        y1r = row_to_col(y1c)
        y2r = row_to_col(y2c)
        arear = row_to_col(areac)

        ix = jnp.maximum(0.0, jnp.minimum(x2r, x2) - jnp.maximum(x1r, x1))
        iy = jnp.maximum(0.0, jnp.minimum(y2r, y2) - jnp.maximum(y1r, y1))
        inter = ix * iy
        iou = inter / jnp.maximum(arear + area - inter, 1e-6)
        s_all = (iou > _THRESH).astype(jnp.float32)

        ixb = jnp.maximum(0.0, jnp.minimum(x2r, x2c) - jnp.maximum(x1r, x1c))
        iyb = jnp.maximum(0.0, jnp.minimum(y2r, y2c) - jnp.maximum(y1r, y1c))
        interb = ixb * iyb
        ioub = interb / jnp.maximum(arear + areac - interb, 1e-6)
        m = (ioub > _THRESH).astype(jnp.float32) * low

        act_col = row_to_col(act_ref[:, pl.ds(off, _T)])

        def wcond(c):
            return c[1]

        def wbody(c):
            k, _ = c
            sup = jnp.dot(m, k, preferred_element_type=jnp.float32)
            k2 = jnp.where(sup > 0.5, 0.0, act_col)
            return (k2, jnp.any(k2 != k))

        k_col, _ = jax.lax.while_loop(wcond, wbody, (act_col, jnp.bool_(True)))

        supall = jnp.max(s_all * k_col, axis=0, keepdims=True)
        later = col_i >= off + _T
        act_ref[...] = jnp.where((supall > 0.5) & later, 0.0, act_ref[...])

        rank_col = jnp.dot(low, k_col, preferred_element_type=jnp.float32) + offs
        g = jnp.where((rank_col == r_iota) & (k_col > 0.5), 1.0, 0.0)
        roi_acc = roi_acc + jnp.dot(blk, g, preferred_element_type=jnp.float32, precision=jax.lax.Precision.HIGHEST)
        sc_acc = sc_acc + jnp.dot(sblk, g, preferred_element_type=jnp.float32, precision=jax.lax.Precision.HIGHEST)
        lb_acc = lb_acc + jnp.dot(lblk, g, preferred_element_type=jnp.float32, precision=jax.lax.Precision.HIGHEST)
        return (b + 1, offs + jnp.sum(k_col), roi_acc, sc_acc, lb_acc)

    def block_cond(carry):
        return jnp.logical_and(carry[0] < nblocks, carry[1] < float(_OUT))

    init = (jnp.int32(0),
            jnp.float32(0.0),
            jnp.zeros((7, _OUT), jnp.float32),
            jnp.zeros((1, _OUT), jnp.float32),
            jnp.zeros((1, _OUT), jnp.float32))
    _, offs, roi_acc, sc_acc, lb_acc = jax.lax.while_loop(
        block_cond, block_body, init)

    roi_ref[...] = roi_acc[None]
    rsc_ref[...] = sc_acc[None]
    rlb_ref[...] = lb_acc.astype(jnp.int32)[None] + 1
    return offs


def _nms_kernel(boxes_ref, scores_ref, labels_ref, roi_ref, rsc_ref, rlb_ref,
                active_ref):
    boxes = boxes_ref[0]
    x = boxes[0:1, :]
    y = boxes[1:2, :]
    dx = jnp.abs(boxes[3:4, :])
    dy = jnp.abs(boxes[4:5, :])
    x1 = x - dx * 0.5
    x2 = x + dx * 0.5
    y1 = y - dy * 0.5
    y2 = y + dy * 0.5
    area = dx * dy

    active_ref[...] = jnp.ones((1, _K), dtype=jnp.float32)

    def get_blk(off):
        blk = boxes_ref[0, :, pl.ds(off, _T)]
        sblk = scores_ref[0, :, pl.ds(off, _T)]
        lblk = labels_ref[0, :, pl.ds(off, _T)].astype(jnp.float32)
        return blk, sblk, lblk

    _greedy_pass(_K, _NB, get_blk, x1, x2, y1, y2, area, active_ref,
                 roi_ref, rsc_ref, rlb_ref)


def kernel(batch_box_preds, batch_cls_preds):
    scores = jnp.max(batch_cls_preds, axis=-1)
    labels = jnp.argmax(batch_cls_preds, axis=-1).astype(jnp.int32)
    top_scores, top_idx = jax.lax.top_k(scores, _K)
    top_boxes = jnp.take_along_axis(batch_box_preds, top_idx[..., None], axis=1)
    top_labels = jnp.take_along_axis(labels, top_idx, axis=1)
    boxes_tr = jnp.transpose(top_boxes, (0, 2, 1))
    roi_tr, rsc, rlb = pl.pallas_call(
        _nms_kernel,
        grid=(_B,),
        in_specs=[
            pl.BlockSpec((1, 7, _K), lambda b: (b, 0, 0)),
            pl.BlockSpec((1, 1, _K), lambda b: (b, 0, 0)),
            pl.BlockSpec((1, 1, _K), lambda b: (b, 0, 0)),
        ],
        out_specs=[
            pl.BlockSpec((1, 7, _OUT), lambda b: (b, 0, 0)),
            pl.BlockSpec((1, 1, _OUT), lambda b: (b, 0, 0)),
            pl.BlockSpec((1, 1, _OUT), lambda b: (b, 0, 0)),
        ],
        out_shape=[
            jax.ShapeDtypeStruct((_B, 7, _OUT), jnp.float32),
            jax.ShapeDtypeStruct((_B, 1, _OUT), jnp.float32),
            jax.ShapeDtypeStruct((_B, 1, _OUT), jnp.int32),
        ],
        scratch_shapes=[
            pltpu.VMEM((1, _K), jnp.float32),
        ],
    )(boxes_tr, top_scores[:, None, :], top_labels[:, None, :])
    return (jnp.transpose(roi_tr, (0, 2, 1)), rsc[:, 0, :], rlb[:, 0, :])

# --- scband reference (transcript-rebuilt; emitter-appended) ---
"""Pipeline reference for scband-ro-ihead-template-17085379904316 (READ-ONLY COPY).

The authoritative reference and input builder live on the scoring server;
editing this copy changes nothing except your own understanding.
"""

import jax, jax.numpy as jnp
import numpy as np

B = 4
N = 20000
NUM_CLASS = 3
NMS_PRE_MAXSIZE = 4096
NMS_POST_MAXSIZE = 512
NMS_THRESH = 0.8


def setup_inputs(seed: int = 0) -> dict:
    key = jax.random.key(seed)
    k1, k2, k3, k4 = jax.random.split(key, 4)
    # realistic 3D boxes: centers in a ~140m x 140m scene, sizes 1-5m, yaw in [-pi, pi]
    centers = jax.random.uniform(k1, (B, N, 3), minval=-70.0, maxval=70.0)
    sizes = jax.random.uniform(k2, (B, N, 3), minval=1.0, maxval=5.0)
    ry = jax.random.uniform(k3, (B, N, 1), minval=-np.pi, maxval=np.pi)
    batch_box_preds = jnp.concatenate([centers, sizes, ry], axis=-1).astype(jnp.float32)
    batch_cls_preds = jax.random.normal(k4, (B, N, NUM_CLASS), dtype=jnp.float32)
    return {"batch_box_preds": batch_box_preds, "batch_cls_preds": batch_cls_preds}


def _pairwise_iou_bev(boxes):
    # axis-aligned BEV IoU (rotation-agnostic approximation of the CUDA rotated-IoU kernel)
    x, y = boxes[:, 0], boxes[:, 1]
    dx, dy = jnp.abs(boxes[:, 3]), jnp.abs(boxes[:, 4])
    x1, x2 = x - dx * 0.5, x + dx * 0.5
    y1, y2 = y - dy * 0.5, y + dy * 0.5
    ix = jnp.maximum(0.0, jnp.minimum(x2[:, None], x2[None, :]) - jnp.maximum(x1[:, None], x1[None, :]))
    iy = jnp.maximum(0.0, jnp.minimum(y2[:, None], y2[None, :]) - jnp.maximum(y1[:, None], y1[None, :]))
    inter = ix * iy
    area = dx * dy
    union = area[:, None] + area[None, :] - inter
    return inter / jnp.maximum(union, 1e-6)


def _nms_single(box_preds, cls_preds):
    # cur_roi_scores, cur_roi_labels = torch.max(cls_preds, dim=1)
    scores = jnp.max(cls_preds, axis=1)
    labels = jnp.argmax(cls_preds, axis=1).astype(jnp.int32)
    # class_agnostic_nms: top-k prefilter by score
    top_scores, top_idx = jax.lax.top_k(scores, NMS_PRE_MAXSIZE)
    top_boxes = jnp.take(box_preds, top_idx, axis=0)
    top_labels = jnp.take(labels, top_idx, axis=0)
    iou = _pairwise_iou_bev(top_boxes)
    K = NMS_PRE_MAXSIZE
    ar = jnp.arange(K)

    def body(i, keep):
        sup = (iou[i] > NMS_THRESH) & (ar > i) & keep[i]
        return keep & jnp.logical_not(sup)

    keep = jax.lax.fori_loop(0, K, body, jnp.ones((K,), dtype=bool))
    rank = jnp.cumsum(keep.astype(jnp.int32)) - 1
    valid = keep & (rank < NMS_POST_MAXSIZE)
    pos = jnp.where(valid, rank, NMS_POST_MAXSIZE)
    rois = jnp.zeros((NMS_POST_MAXSIZE + 1, box_preds.shape[-1]), dtype=box_preds.dtype).at[pos].set(top_boxes)[:NMS_POST_MAXSIZE]
    roi_scores = jnp.zeros((NMS_POST_MAXSIZE + 1,), dtype=box_preds.dtype).at[pos].set(top_scores)[:NMS_POST_MAXSIZE]
    roi_labels = jnp.zeros((NMS_POST_MAXSIZE + 1,), dtype=jnp.int32).at[pos].set(top_labels)[:NMS_POST_MAXSIZE]
    return rois, roi_scores, roi_labels


def reference(batch_box_preds, batch_cls_preds):
    rois, roi_scores, roi_labels = jax.vmap(_nms_single)(batch_box_preds, batch_cls_preds)
    # batch_dict['roi_labels'] = roi_labels + 1
    return rois, roi_scores, roi_labels + 1

if __name__ == "__main__":
    import jax
    _d = setup_inputs()
    print(jax.jit(kernel)(*tuple(_d.values())))

</pallas_src>

<mosaic_0001>
module attributes {stable_mosaic.version = 14 : i64} {
  func.func @_nms_kernel(%arg0: i32, %arg1: memref<1x7x4096xf32, #tpu.memory_space<vmem>>, %arg2: memref<1x1x4096xf32, #tpu.memory_space<vmem>>, %arg3: memref<1x1x4096xi32, #tpu.memory_space<vmem>>, %arg4: memref<1x7x512xf32, #tpu.memory_space<vmem>>, %arg5: memref<1x1x512xf32, #tpu.memory_space<vmem>>, %arg6: memref<1x1x512xi32, #tpu.memory_space<vmem>>, %arg7: memref<1x4096xf32, #tpu.memory_space<vmem>>) attributes {dimension_semantics = [#tpu.dimension_semantics<arbitrary>], iteration_bounds = array<i64: 4>, scalar_prefetch = 0 : i64, scratch_operands = 1 : i64, tpu.core_type = #tpu.core_type<tc>, window_params = [{transform_indices = @transform_0, window_bounds = array<i64: 1, 7, 4096>}, {transform_indices = @transform_1, window_bounds = array<i64: 1, 1, 4096>}, {transform_indices = @transform_2, window_bounds = array<i64: 1, 1, 4096>}, {transform_indices = @transform_3, window_bounds = array<i64: 1, 7, 512>}, {transform_indices = @transform_4, window_bounds = array<i64: 1, 1, 512>}, {transform_indices = @transform_5, window_bounds = array<i64: 1, 1, 512>}]} {
    %get3A = arith.constant 0 : index
    %get3A_0 = arith.constant 0 : index
    %get3A_1 = arith.constant 0 : index
    %get3A_2 = vector.load %arg1[%get3A, %get3A_0, %get3A_1] : memref<1x7x4096xf32, #tpu.memory_space<vmem>>, vector<1x7x4096xf32>
    %get3A_3 = vector.shape_cast %get3A_2 : vector<1x7x4096xf32> to vector<7x4096xf32>
    %slice3A = vector.extract_strided_slice %get3A_3 {offsets = [0, 0], sizes = [1, 4096], strides = [1, 1]} : vector<7x4096xf32> to vector<1x4096xf32>
    %slice3A_4 = vector.extract_strided_slice %get3A_3 {offsets = [1, 0], sizes = [1, 4096], strides = [1, 1]} : vector<7x4096xf32> to vector<1x4096xf32>
    %slice3A_5 = vector.extract_strided_slice %get3A_3 {offsets = [3, 0], sizes = [1, 4096], strides = [1, 1]} : vector<7x4096xf32> to vector<1x4096xf32>
    %abs3A = math.absf %slice3A_5 : vector<1x4096xf32>
    %slice3A_6 = vector.extract_strided_slice %get3A_3 {offsets = [4, 0], sizes = [1, 4096], strides = [1, 1]} : vector<7x4096xf32> to vector<1x4096xf32>
    %abs3A_7 = math.absf %slice3A_6 : vector<1x4096xf32>
    %mul3A = arith.constant 5.000000e-01 : f32
    %mul3A_8 = vector.broadcast %mul3A : f32 to vector<1x4096xf32>
    %mul3A_9 = arith.mulf %abs3A, %mul3A_8 : vector<1x4096xf32>
    %sub3A = arith.subf %slice3A, %mul3A_9 : vector<1x4096xf32>
    %mul3A_10 = arith.constant 5.000000e-01 : f32
    %mul3A_11 = vector.broadcast %mul3A_10 : f32 to vector<1x4096xf32>
    %mul3A_12 = arith.mulf %abs3A, %mul3A_11 : vector<1x4096xf32>
    %add3A = arith.addf %slice3A, %mul3A_12 : vector<1x4096xf32>
    %mul3A_13 = arith.constant 5.000000e-01 : f32
    %mul3A_14 = vector.broadcast %mul3A_13 : f32 to vector<1x4096xf32>
    %mul3A_15 = arith.mulf %abs3A_7, %mul3A_14 : vector<1x4096xf32>
    %sub3A_16 = arith.subf %slice3A_4, %mul3A_15 : vector<1x4096xf32>
    %mul3A_17 = arith.constant 5.000000e-01 : f32
    %mul3A_18 = vector.broadcast %mul3A_17 : f32 to vector<1x4096xf32>
    %mul3A_19 = arith.mulf %abs3A_7, %mul3A_18 : vector<1x4096xf32>
    %add3A_20 = arith.addf %slice3A_4, %mul3A_19 : vector<1x4096xf32>
    %mul3A_21 = arith.mulf %abs3A, %abs3A_7 : vector<1x4096xf32>
    %broadcast_in_dim3A = arith.constant 1.000000e+00 : f32
    %broadcast_in_dim3A_22 = vector.broadcast %broadcast_in_dim3A : f32 to vector<1x4096xf32>
    %swap3A = arith.constant 0 : index
    %swap3A_23 = arith.constant 0 : index
    %swap3A_24 = vector.load %arg7[%swap3A, %swap3A_23] : memref<1x4096xf32, #tpu.memory_space<vmem>>, vector<1x4096xf32>
    tpu.vector_store %arg7[%swap3A, %swap3A_23], %broadcast_in_dim3A_22 {strides = array<i32>} : memref<1x4096xf32, #tpu.memory_space<vmem>>, vector<1x4096xf32>,
    %iota3A = tpu.iota {dimensions = array<i32: 0>} : vector<128x128xi32>
    %iota3A_25 = tpu.iota {dimensions = array<i32: 1>} : vector<128x128xi32>
    %eq3A = arith.cmpi eq, %iota3A, %iota3A_25 : vector<128x128xi32>
    %convert_element_type3A = arith.extui %eq3A : vector<128x128xi1> to vector<128x128xi32>
    %convert_element_type3A_26 = arith.sitofp %convert_element_type3A : vector<128x128xi32> to vector<128x128xf32>
    %iota3A_27 = tpu.iota {dimensions = array<i32: 0>} : vector<128x128xi32>
    %iota3A_28 = tpu.iota {dimensions = array<i32: 1>} : vector<128x128xi32>
    %gt3A = arith.cmpi sgt, %iota3A_27, %iota3A_28 : vector<128x128xi32>
    %convert_element_type3A_29 = arith.extui %gt3A : vector<128x128xi1> to vector<128x128xi32>
    %convert_element_type3A_30 = arith.sitofp %convert_element_type3A_29 : vector<128x128xi32> to vector<128x128xf32>
    %iota3A_31 = tpu.iota {dimensions = array<i32: 1>} : vector<1x4096xi32>
    %iota3A_32 = tpu.iota {dimensions = array<i32: 1>} : vector<1x512xi32>
    %convert_element_type3A_33 = arith.sitofp %iota3A_32 : vector<1x512xi32> to vector<1x512xf32>
    %broadcast_in_dim3A_34 = arith.constant 0.000000e+00 : f32
    %broadcast_in_dim3A_35 = vector.broadcast %broadcast_in_dim3A_34 : f32 to vector<7x512xf32>
    %broadcast_in_dim3A_36 = arith.constant 0.000000e+00 : f32
    %broadcast_in_dim3A_37 = vector.broadcast %broadcast_in_dim3A_36 : f32 to vector<1x512xf32>
    %broadcast_in_dim3A_38 = arith.constant 0.000000e+00 : f32
    %broadcast_in_dim3A_39 = vector.broadcast %broadcast_in_dim3A_38 : f32 to vector<1x512xf32>
    %while3A = arith.constant 0 : i32
    %while3A_40 = arith.constant 0.000000e+00 : f32
    %while3A_41:5 = scf.while (%while3A_61 = %while3A, %while3A_62 = %while3A_40, %while3A_63 = %broadcast_in_dim3A_35, %while3A_64 = %broadcast_in_dim3A_37, %while3A_65 = %broadcast_in_dim3A_39) : (i32, f32, vector<7x512xf32>, vector<1x512xf32>, vector<1x512xf32>) -> (i32, f32, vector<7x512xf32>, vector<1x512xf32>, vector<1x512xf32>) {
      %lt3A = arith.constant 32 : i32
      %lt3A_66 = arith.cmpi slt, %while3A_61, %lt3A : i32
      %lt3A_67 = arith.constant 5.120000e+02 : f32
      %lt3A_68 = arith.cmpf olt, %while3A_62, %lt3A_67 : f32
      %and3A = arith.andi %lt3A_66, %lt3A_68 : i1
      scf.condition(%and3A) %while3A_61, %while3A_62, %while3A_63, %while3A_64, %while3A_65 : i32, f32, vector<7x512xf32>, vector<1x512xf32>, vector<1x512xf32>
    } do {
    ^bb0(%while3A_61: i32, %while3A_62: f32, %while3A_63: vector<7x512xf32>, %while3A_64: vector<1x512xf32>, %while3A_65: vector<1x512xf32>):
      %mul3A_66 = arith.constant 128 : i32
      %mul3A_67 = arith.muli %while3A_61, %mul3A_66 : i32
      %get3A_68 = arith.constant 0 : index
      %get3A_69 = arith.constant 0 : index
      %get3A_70 = arith.index_cast %mul3A_67 : i32 to index
      %get3A_71 = vector.load %arg1[%get3A_68, %get3A_69, %get3A_70] : memref<1x7x4096xf32, #tpu.memory_space<vmem>>, vector<1x7x128xf32>
      %get3A_72 = vector.shape_cast %get3A_71 : vector<1x7x128xf32> to vector<7x128xf32>
      %get3A_73 = arith.constant 0 : index
      %get3A_74 = arith.constant 0 : index
      %get3A_75 = arith.index_cast %mul3A_67 : i32 to index
      %get3A_76 = vector.load %arg2[%get3A_73, %get3A_74, %get3A_75] : memref<1x1x4096xf32, #tpu.memory_space<vmem>>, vector<1x1x128xf32>
      %get3A_77 = vector.shape_cast %get3A_76 : vector<1x1x128xf32> to vector<1x128xf32>
      %get3A_78 = arith.constant 0 : index
      %get3A_79 = arith.constant 0 : index
      %get3A_80 = arith.index_cast %mul3A_67 : i32 to index
      %get3A_81 = vector.load %arg3[%get3A_78, %get3A_79, %get3A_80] : memref<1x1x4096xi32, #tpu.memory_space<vmem>>, vector<1x1x128xi32>
      %get3A_82 = vector.shape_cast %get3A_81 : vector<1x1x128xi32> to vector<1x128xi32>
      %convert_element_type3A_83 = arith.sitofp %get3A_82 : vector<1x128xi32> to vector<1x128xf32>
      %slice3A_84 = vector.extract_strided_slice %get3A_72 {offsets = [0, 0], sizes = [1, 128], strides = [1, 1]} : vector<7x128xf32> to vector<1x128xf32>
      %slice3A_85 = vector.extract_strided_slice %get3A_72 {offsets = [1, 0], sizes = [1, 128], strides = [1, 1]} : vector<7x128xf32> to vector<1x128xf32>
      %slice3A_86 = vector.extract_strided_slice %get3A_72 {offsets = [3, 0], sizes = [1, 128], strides = [1, 1]} : vector<7x128xf32> to vector<1x128xf32>
      %abs3A_87 = math.absf %slice3A_86 : vector<1x128xf32>
      %slice3A_88 = vector.extract_strided_slice %get3A_72 {offsets = [4, 0], sizes = [1, 128], strides = [1, 1]} : vector<7x128xf32> to vector<1x128xf32>
      %abs3A_89 = math.absf %slice3A_88 : vector<1x128xf32>
      %mul3A_90 = arith.constant 5.000000e-01 : f32
      %mul3A_91 = vector.broadcast %mul3A_90 : f32 to vector<1x128xf32>
      %mul3A_92 = arith.mulf %abs3A_87, %mul3A_91 : vector<1x128xf32>
      %sub3A_93 = arith.subf %slice3A_84, %mul3A_92 : vector<1x128xf32>
      %mul3A_94 = arith.constant 5.000000e-01 : f32
      %mul3A_95 = vector.broadcast %mul3A_94 : f32 to vector<1x128xf32>
      %mul3A_96 = arith.mulf %abs3A_87, %mul3A_95 : vector<1x128xf32>
      %add3A_97 = arith.addf %slice3A_84, %mul3A_96 : vector<1x128xf32>
      %mul3A_98 = arith.constant 5.000000e-01 : f32
      %mul3A_99 = vector.broadcast %mul3A_98 : f32 to vector<1x128xf32>
      %mul3A_100 = arith.mulf %abs3A_89, %mul3A_99 : vector<1x128xf32>
      %sub3A_101 = arith.subf %slice3A_85, %mul3A_100 : vector<1x128xf32>
      %mul3A_102 = arith.constant 5.000000e-01 : f32
      %mul3A_103 = vector.broadcast %mul3A_102 : f32 to vector<1x128xf32>
      %mul3A_104 = arith.mulf %abs3A_89, %mul3A_103 : vector<1x128xf32>
      %add3A_105 = arith.addf %slice3A_85, %mul3A_104 : vector<1x128xf32>
      %mul3A_106 = arith.mulf %abs3A_87, %abs3A_89 : vector<1x128xf32>
      %mul3A_107 = vector.broadcast %sub3A_93 : vector<1x128xf32> to vector<128x128xf32>
      %mul3A_108 = arith.mulf %convert_element_type3A_26, %mul3A_107 : vector<128x128xf32>
      %reduce_sum3A = arith.constant dense<0.000000e+00> : vector<128xf32>
      %reduce_sum3A_109 = vector.multi_reduction <add>, %mul3A_108, %reduce_sum3A [1] : vector<128x128xf32> to vector<128xf32>
      %broadcast_in_dim3A_110 = vector.shape_cast %reduce_sum3A_109 : vector<128xf32> to vector<128x1xf32>
      %mul3A_111 = vector.broadcast %add3A_97 : vector<1x128xf32> to vector<128x128xf32>
      %mul3A_112 = arith.mulf %convert_element_type3A_26, %mul3A_111 : vector<128x128xf32>
      %reduce_sum3A_113 = arith.constant dense<0.000000e+00> : vector<128xf32>
      %reduce_sum3A_114 = vector.multi_reduction <add>, %mul3A_112, %reduce_sum3A_113 [1] : vector<128x128xf32> to vector<128xf32>
      %broadcast_in_dim3A_115 = vector.shape_cast %reduce_sum3A_114 : vector<128xf32> to vector<128x1xf32>
      %mul3A_116 = vector.broadcast %sub3A_101 : vector<1x128xf32> to vector<128x128xf32>
      %mul3A_117 = arith.mulf %convert_element_type3A_26, %mul3A_116 : vector<128x128xf32>
      %reduce_sum3A_118 = arith.constant dense<0.000000e+00> : vector<128xf32>
      %reduce_sum3A_119 = vector.multi_reduction <add>, %mul3A_117, %reduce_sum3A_118 [1] : vector<128x128xf32> to vector<128xf32>
      %broadcast_in_dim3A_120 = vector.shape_cast %reduce_sum3A_119 : vector<128xf32> to vector<128x1xf32>
      %mul3A_121 = vector.broadcast %add3A_105 : vector<1x128xf32> to vector<128x128xf32>
      %mul3A_122 = arith.mulf %convert_element_type3A_26, %mul3A_121 : vector<128x128xf32>
      %reduce_sum3A_123 = arith.constant dense<0.000000e+00> : vector<128xf32>
      %reduce_sum3A_124 = vector.multi_reduction <add>, %mul3A_122, %reduce_sum3A_123 [1] : vector<128x128xf32> to vector<128xf32>
      %broadcast_in_dim3A_125 = vector.shape_cast %reduce_sum3A_124 : vector<128xf32> to vector<128x1xf32>
      %mul3A_126 = vector.broadcast %mul3A_106 : vector<1x128xf32> to vector<128x128xf32>
      %mul3A_127 = arith.mulf %convert_element_type3A_26, %mul3A_126 : vector<128x128xf32>
      %reduce_sum3A_128 = arith.constant dense<0.000000e+00> : vector<128xf32>
      %reduce_sum3A_129 = vector.multi_reduction <add>, %mul3A_127, %reduce_sum3A_128 [1] : vector<128x128xf32> to vector<128xf32>
      %broadcast_in_dim3A_130 = vector.shape_cast %reduce_sum3A_129 : vector<128xf32> to vector<128x1xf32>
      %min3A = vector.broadcast %broadcast_in_dim3A_115 : vector<128x1xf32> to vector<128x4096xf32>
      %min3A_131 = vector.broadcast %add3A : vector<1x4096xf32> to vector<128x4096xf32>
      %min3A_132 = arith.minimumf %min3A, %min3A_131 : vector<128x4096xf32>
      %max3A = vector.broadcast %broadcast_in_dim3A_110 : vector<128x1xf32> to vector<128x4096xf32>
      %max3A_133 = vector.broadcast %sub3A : vector<1x4096xf32> to vector<128x4096xf32>
      %max3A_134 = arith.maximumf %max3A, %max3A_133 : vector<128x4096xf32>
      %sub3A_135 = arith.subf %min3A_132, %max3A_134 : vector<128x4096xf32>
      %max3A_136 = arith.constant 0.000000e+00 : f32
      %max3A_137 = vector.broadcast %max3A_136 : f32 to vector<128x4096xf32>
      %max3A_138 = arith.maximumf %max3A_137, %sub3A_135 : vector<128x4096xf32>
      %min3A_139 = vector.broadcast %broadcast_in_dim3A_125 : vector<128x1xf32> to vector<128x4096xf32>
      %min3A_140 = vector.broadcast %add3A_20 : vector<1x4096xf32> to vector<128x4096xf32>
      %min3A_141 = arith.minimumf %min3A_139, %min3A_140 : vector<128x4096xf32>
      %max3A_142 = vector.broadcast %broadcast_in_dim3A_120 : vector<128x1xf32> to vector<128x4096xf32>
      %max3A_143 = vector.broadcast %sub3A_16 : vector<1x4096xf32> to vector<128x4096xf32>
      %max3A_144 = arith.maximumf %max3A_142, %max3A_143 : vector<128x4096xf32>
      %sub3A_145 = arith.subf %min3A_141, %max3A_144 : vector<128x4096xf32>
      %max3A_146 = arith.constant 0.000000e+00 : f32
      %max3A_147 = vector.broadcast %max3A_146 : f32 to vector<128x4096xf32>
      %max3A_148 = arith.maximumf %max3A_147, %sub3A_145 : vector<128x4096xf32>
      %mul3A_149 = arith.mulf %max3A_138, %max3A_148 : vector<128x4096xf32>
      %add3A_150 = vector.broadcast %broadcast_in_dim3A_130 : vector<128x1xf32> to vector<128x4096xf32>
      %add3A_151 = vector.broadcast %mul3A_21 : vector<1x4096xf32> to vector<128x4096xf32>
      %add3A_152 = arith.addf %add3A_150, %add3A_151 : vector<128x4096xf32>
      %sub3A_153 = arith.subf %add3A_152, %mul3A_149 : vector<128x4096xf32>
      %max3A_154 = arith.constant 9.99999997E-7 : f32
      %max3A_155 = vector.broadcast %max3A_154 : f32 to vector<128x4096xf32>
      %max3A_156 = arith.maximumf %sub3A_153, %max3A_155 : vector<128x4096xf32>
      %div3A = arith.divf %mul3A_149, %max3A_156 : vector<128x4096xf32>
      %gt3A_157 = arith.constant 8.000000e-01 : f32
      %gt3A_158 = vector.broadcast %gt3A_157 : f32 to vector<128x4096xf32>
      %gt3A_159 = arith.cmpf ogt, %div3A, %gt3A_158 : vector<128x4096xf32>
      %convert_element_type3A_160 = arith.extui %gt3A_159 : vector<128x4096xi1> to vector<128x4096xi32>
      %convert_element_type3A_161 = arith.sitofp %convert_element_type3A_160 : vector<128x4096xi32> to vector<128x4096xf32>
      %min3A_162 = vector.broadcast %broadcast_in_dim3A_115 : vector<128x1xf32> to vector<128x128xf32>
      %min3A_163 = vector.broadcast %add3A_97 : vector<1x128xf32> to vector<128x128xf32>
      %min3A_164 = arith.minimumf %min3A_162, %min3A_163 : vector<128x128xf32>
      %max3A_165 = vector.broadcast %broadcast_in_dim3A_110 : vector<128x1xf32> to vector<128x128xf32>
      %max3A_166 = vector.broadcast %sub3A_93 : vector<1x128xf32> to vector<128x128xf32>
      %max3A_167 = arith.maximumf %max3A_165, %max3A_166 : vector<128x128xf32>
      %sub3A_168 = arith.subf %min3A_164, %max3A_167 : vector<128x128xf32>
      %max3A_169 = arith.constant 0.000000e+00 : f32
      %max3A_170 = vector.broadcast %max3A_169 : f32 to vector<128x128xf32>
      %max3A_171 = arith.maximumf %max3A_170, %sub3A_168 : vector<128x128xf32>
      %min3A_172 = vector.broadcast %broadcast_in_dim3A_125 : vector<128x1xf32> to vector<128x128xf32>
      %min3A_173 = vector.broadcast %add3A_105 : vector<1x128xf32> to vector<128x128xf32>
      %min3A_174 = arith.minimumf %min3A_172, %min3A_173 : vector<128x128xf32>
      %max3A_175 = vector.broadcast %broadcast_in_dim3A_120 : vector<128x1xf32> to vector<128x128xf32>
      %max3A_176 = vector.broadcast %sub3A_101 : vector<1x128xf32> to vector<128x128xf32>
      %max3A_177 = arith.maximumf %max3A_175, %max3A_176 : vector<128x128xf32>
      %sub3A_178 = arith.subf %min3A_174, %max3A_177 : vector<128x128xf32>
      %max3A_179 = arith.constant 0.000000e+00 : f32
      %max3A_180 = vector.broadcast %max3A_179 : f32 to vector<128x128xf32>
      %max3A_181 = arith.maximumf %max3A_180, %sub3A_178 : vector<128x128xf32>
      %mul3A_182 = arith.mulf %max3A_171, %max3A_181 : vector<128x128xf32>
      %add3A_183 = vector.broadcast %broadcast_in_dim3A_130 : vector<128x1xf32> to vector<128x128xf32>
      %add3A_184 = vector.broadcast %mul3A_106 : vector<1x128xf32> to vector<128x128xf32>
      %add3A_185 = arith.addf %add3A_183, %add3A_184 : vector<128x128xf32>
      %sub3A_186 = arith.subf %add3A_185, %mul3A_182 : vector<128x128xf32>
      %max3A_187 = arith.constant 9.99999997E-7 : f32
      %max3A_188 = vector.broadcast %max3A_187 : f32 to vector<128x128xf32>
      %max3A_189 = arith.maximumf %sub3A_186, %max3A_188 : vector<128x128xf32>
      %div3A_190 = arith.divf %mul3A_182, %max3A_189 : vector<128x128xf32>
      %gt3A_191 = arith.constant 8.000000e-01 : f32
      %gt3A_192 = vector.broadcast %gt3A_191 : f32 to vector<128x128xf32>
      %gt3A_193 = arith.cmpf ogt, %div3A_190, %gt3A_192 : vector<128x128xf32>
      %convert_element_type3A_194 = arith.extui %gt3A_193 : vector<128x128xi1> to vector<128x128xi32>
      %convert_element_type3A_195 = arith.sitofp %convert_element_type3A_194 : vector<128x128xi32> to vector<128x128xf32>
      %mul3A_196 = arith.mulf %convert_element_type3A_195, %convert_element_type3A_30 : vector<128x128xf32>
      %get3A_197 = arith.constant 0 : index
      %get3A_198 = arith.index_cast %mul3A_67 : i32 to index
      %get3A_199 = vector.load %arg7[%get3A_197, %get3A_198] : memref<1x4096xf32, #tpu.memory_space<vmem>>, vector<1x128xf32>
      %mul3A_200 = vector.broadcast %get3A_199 : vector<1x128xf32> to vector<128x128xf32>
      %mul3A_201 = arith.mulf %convert_element_type3A_26, %mul3A_200 : vector<128x128xf32>
      %reduce_sum3A_202 = arith.constant dense<0.000000e+00> : vector<128xf32>
      %reduce_sum3A_203 = vector.multi_reduction <add>, %mul3A_201, %reduce_sum3A_202 [1] : vector<128x128xf32> to vector<128xf32>
      %broadcast_in_dim3A_204 = vector.shape_cast %reduce_sum3A_203 : vector<128xf32> to vector<128x1xf32>
      %while3A_205 = arith.constant true
      %while3A_206:2 = scf.while (%while3A_257 = %broadcast_in_dim3A_204, %while3A_258 = %while3A_205) : (vector<128x1xf32>, i1) -> (vector<128x1xf32>, i1) {
        scf.condition(%while3A_258) %while3A_257, %while3A_258 : vector<128x1xf32>, i1
      } do {
      ^bb0(%while3A_257: vector<128x1xf32>, %while3A_258: i1):
        %dot_general3A_259 = arith.constant dense<0.000000e+00> : vector<128x1xf32>
        %dot_general3A_260 = tpu.matmul %mul3A_196, %while3A_257, %dot_general3A_259 {dimension_numbers = #tpu.dot_dimension_numbers<[1], [0], [0], [1], [0, 0, 1, 1], [], []>, transpose_lhs_hint = false} : vector<128x128xf32>, vector<128x1xf32>, vector<128x1xf32> -> vector<128x1xf32>
        %gt3A_261 = arith.constant 5.000000e-01 : f32
        %gt3A_262 = vector.broadcast %gt3A_261 : f32 to vector<128x1xf32>
        %gt3A_263 = arith.cmpf ogt, %dot_general3A_260, %gt3A_262 : vector<128x1xf32>
        %jit3A_264 = arith.constant 0.000000e+00 : f32
        %broadcast_in_dim3A_265 = vector.broadcast %jit3A_264 : f32 to vector<128x1xf32>
        %select_n3A_266 = arith.select %gt3A_263, %broadcast_in_dim3A_265, %broadcast_in_dim3A_204 : vector<128x1xi1>, vector<128x1xf32>
        %ne3A = arith.cmpf one, %select_n3A_266, %while3A_257 : vector<128x1xf32>
        %reduce_or3A = arith.constant 1.000000e+00 : f32
        %reduce_or3A_267 = arith.constant 0.000000e+00 : f32
        %reduce_or3A_268 = vector.broadcast %reduce_or3A : f32 to vector<128x1xf32>
        %reduce_or3A_269 = vector.broadcast %reduce_or3A_267 : f32 to vector<128x1xf32>
        %reduce_or3A_270 = arith.select %ne3A, %reduce_or3A_268, %reduce_or3A_269 : vector<128x1xi1>, vector<128x1xf32>
        %reduce_or3A_271 = vector.shape_cast %reduce_or3A_270 : vector<128x1xf32> to vector<1x128x1xf32>
        %reduce_or3A_272 = arith.constant dense<0xFF800000> : vector<1xf32>
        %reduce_or3A_273 = vector.multi_reduction <maximumf>, %reduce_or3A_271, %reduce_or3A_272 [1, 2] : vector<1x128x1xf32> to vector<1xf32>
        %reduce_or3A_274 = vector.shape_cast %reduce_or3A_273 : vector<1xf32> to vector<1x1x1xf32>
        %reduce_or3A_275 = vector.extract %reduce_or3A_274[0, 0, 0] : f32 from vector<1x1x1xf32>
        %reduce_or3A_276 = arith.constant 0.000000e+00 : f32
        %reduce_or3A_277 = arith.cmpf ogt, %reduce_or3A_275, %reduce_or3A_276 : f32
        scf.yield %select_n3A_266, %reduce_or3A_277 : vector<128x1xf32>, i1
      }
      %mul3A_207 = vector.broadcast %while3A_206#0 : vector<128x1xf32> to vector<128x4096xf32>
      %mul3A_208 = arith.mulf %convert_element_type3A_161, %mul3A_207 : vector<128x4096xf32>
      %reduce_max3A = arith.constant dense<0xFF800000> : vector<4096xf32>
      %reduce_max3A_209 = vector.multi_reduction <maximumf>, %mul3A_208, %reduce_max3A [0] : vector<128x4096xf32> to vector<4096xf32>
      %broadcast_in_dim3A_210 = vector.shape_cast %reduce_max3A_209 : vector<4096xf32> to vector<1x4096xf32>
      %add3A_211 = arith.constant 128 : i32
      %add3A_212 = arith.addi %mul3A_67, %add3A_211 : i32
      %ge3A = vector.broadcast %add3A_212 : i32 to vector<1x4096xi32>
      %ge3A_213 = arith.cmpi sge, %iota3A_31, %ge3A : vector<1x4096xi32>
      %gt3A_214 = arith.constant 5.000000e-01 : f32
      %gt3A_215 = vector.broadcast %gt3A_214 : f32 to vector<1x4096xf32>
      %gt3A_216 = arith.cmpf ogt, %broadcast_in_dim3A_210, %gt3A_215 : vector<1x4096xf32>
      %and3A = arith.andi %gt3A_216, %ge3A_213 : vector<1x4096xi1>
      %get3A_217 = arith.constant 0 : index
      %get3A_218 = arith.constant 0 : index
      %get3A_219 = vector.load %arg7[%get3A_217, %get3A_218] : memref<1x4096xf32, #tpu.memory_space<vmem>>, vector<1x4096xf32>
      %jit3A = arith.constant 0.000000e+00 : f32
      %broadcast_in_dim3A_220 = vector.broadcast %jit3A : f32 to vector<1x4096xf32>
      %select_n3A = arith.select %and3A, %broadcast_in_dim3A_220, %get3A_219 : vector<1x4096xi1>, vector<1x4096xf32>
      %swap3A_221 = arith.constant 0 : index
      %swap3A_222 = arith.constant 0 : index
      %swap3A_223 = vector.load %arg7[%swap3A_221, %swap3A_222] : memref<1x4096xf32, #tpu.memory_space<vmem>>, vector<1x4096xf32>
      tpu.vector_store %arg7[%swap3A_221, %swap3A_222], %select_n3A {strides = array<i32>} : memref<1x4096xf32, #tpu.memory_space<vmem>>, vector<1x4096xf32>,
      %dot_general3A = arith.constant dense<0.000000e+00> : vector<128x1xf32>
      %dot_general3A_224 = tpu.matmul %convert_element_type3A_30, %while3A_206#0, %dot_general3A {dimension_numbers = #tpu.dot_dimension_numbers<[1], [0], [0], [1], [0, 0, 1, 1], [], []>, transpose_lhs_hint = false} : vector<128x128xf32>, vector<128x1xf32>, vector<128x1xf32> -> vector<128x1xf32>
      %add3A_225 = vector.broadcast %while3A_62 : f32 to vector<128x1xf32>
      %add3A_226 = arith.addf %dot_general3A_224, %add3A_225 : vector<128x1xf32>
      %eq3A_227 = vector.broadcast %add3A_226 : vector<128x1xf32> to vector<128x512xf32>
      %eq3A_228 = vector.broadcast %convert_element_type3A_33 : vector<1x512xf32> to vector<128x512xf32>
      %eq3A_229 = arith.cmpf oeq, %eq3A_227, %eq3A_228 : vector<128x512xf32>
      %gt3A_230 = arith.constant 5.000000e-01 : f32
      %gt3A_231 = vector.broadcast %gt3A_230 : f32 to vector<128x1xf32>
      %gt3A_232 = arith.cmpf ogt, %while3A_206#0, %gt3A_231 : vector<128x1xf32>
      %and3A_233 = vector.broadcast %gt3A_232 : vector<128x1xi1> to vector<128x512xi1>
      %and3A_234 = arith.andi %eq3A_229, %and3A_233 : vector<128x512xi1>
      %jit3A_235 = arith.constant 1.000000e+00 : f32
      %jit3A_236 = arith.constant 0.000000e+00 : f32
      %broadcast_in_dim3A_237 = vector.broadcast %jit3A_235 : f32 to vector<128x512xf32>
      %broadcast_in_dim3A_238 = vector.broadcast %jit3A_236 : f32 to vector<128x512xf32>
      %select_n3A_239 = arith.select %and3A_234, %broadcast_in_dim3A_237, %broadcast_in_dim3A_238 : vector<128x512xi1>, vector<128x512xf32>
      %dot_general3A_240 = arith.constant dense<0.000000e+00> : vector<7x512xf32>
      %dot_general3A_241 = tpu.matmul %get3A_72, %select_n3A_239, %dot_general3A_240 {dimension_numbers = #tpu.dot_dimension_numbers<[1], [0], [0], [1], [0, 0, 1, 1], [], []>, precision = #tpu.contract_precision<fp32>, transpose_lhs_hint = false} : vector<7x128xf32>, vector<128x512xf32>, vector<7x512xf32> -> vector<7x512xf32>
      %add3A_242 = arith.addf %while3A_63, %dot_general3A_241 : vector<7x512xf32>
      %dot_general3A_243 = arith.constant dense<0.000000e+00> : vector<1x512xf32>
      %dot_general3A_244 = tpu.matmul %get3A_77, %select_n3A_239, %dot_general3A_243 {dimension_numbers = #tpu.dot_dimension_numbers<[1], [0], [0], [1], [0, 0, 1, 1], [], []>, precision = #tpu.contract_precision<fp32>, transpose_lhs_hint = false} : vector<1x128xf32>, vector<128x512xf32>, vector<1x512xf32> -> vector<1x512xf32>
      %add3A_245 = arith.addf %while3A_64, %dot_general3A_244 : vector<1x512xf32>
      %dot_general3A_246 = arith.constant dense<0.000000e+00> : vector<1x512xf32>
      %dot_general3A_247 = tpu.matmul %convert_element_type3A_83, %select_n3A_239, %dot_general3A_246 {dimension_numbers = #tpu.dot_dimension_numbers<[1], [0], [0], [1], [0, 0, 1, 1], [], []>, precision = #tpu.contract_precision<fp32>, transpose_lhs_hint = false} : vector<1x128xf32>, vector<128x512xf32>, vector<1x512xf32> -> vector<1x512xf32>
      %add3A_248 = arith.addf %while3A_65, %dot_general3A_247 : vector<1x512xf32>
      %add3A_249 = arith.constant 1 : i32
      %add3A_250 = arith.addi %while3A_61, %add3A_249 : i32
      %reduce_sum3A_251 = vector.shape_cast %while3A_206#0 : vector<128x1xf32> to vector<1x128x1xf32>
      %reduce_sum3A_252 = arith.constant dense<0.000000e+00> : vector<1xf32>
      %reduce_sum3A_253 = vector.multi_reduction <add>, %reduce_sum3A_251, %reduce_sum3A_252 [1, 2] : vector<1x128x1xf32> to vector<1xf32>
      %reduce_sum3A_254 = vector.shape_cast %reduce_sum3A_253 : vector<1xf32> to vector<1x1x1xf32>
      %reduce_sum3A_255 = vector.extract %reduce_sum3A_254[0, 0, 0] : f32 from vector<1x1x1xf32>
      %add3A_256 = arith.addf %while3A_62, %reduce_sum3A_255 : f32
      scf.yield %add3A_250, %add3A_256, %add3A_242, %add3A_245, %add3A_248 : i32, f32, vector<7x512xf32>, vector<1x512xf32>, vector<1x512xf32>
    }
    %broadcast_in_dim3A_42 = vector.shape_cast %while3A_41#2 : vector<7x512xf32> to vector<1x7x512xf32>
    %swap3A_43 = arith.constant 0 : index
    %swap3A_44 = arith.constant 0 : index
    %swap3A_45 = arith.constant 0 : index
    %swap3A_46 = vector.load %arg4[%swap3A_43, %swap3A_44, %swap3A_45] : memref<1x7x512xf32, #tpu.memory_space<vmem>>, vector<1x7x512xf32>
    tpu.vector_store %arg4[%swap3A_43, %swap3A_44, %swap3A_45], %broadcast_in_dim3A_42 {strides = array<i32>} : memref<1x7x512xf32, #tpu.memory_space<vmem>>, vector<1x7x512xf32>,
    %broadcast_in_dim3A_47 = vector.shape_cast %while3A_41#3 : vector<1x512xf32> to vector<1x1x512xf32>
    %swap3A_48 = arith.constant 0 : index
    %swap3A_49 = arith.constant 0 : index
    %swap3A_50 = arith.constant 0 : index
    %swap3A_51 = vector.load %arg5[%swap3A_48, %swap3A_49, %swap3A_50] : memref<1x1x512xf32, #tpu.memory_space<vmem>>, vector<1x1x512xf32>
    tpu.vector_store %arg5[%swap3A_48, %swap3A_49, %swap3A_50], %broadcast_in_dim3A_47 {strides = array<i32>} : memref<1x1x512xf32, #tpu.memory_space<vmem>>, vector<1x1x512xf32>,
    %convert_element_type3A_52 = arith.fptosi %while3A_41#4 : vector<1x512xf32> to vector<1x512xi32>
    %broadcast_in_dim3A_53 = vector.shape_cast %convert_element_type3A_52 : vector<1x512xi32> to vector<1x1x512xi32>
    %add3A_54 = arith.constant 1 : i32
    %add3A_55 = vector.broadcast %add3A_54 : i32 to vector<1x1x512xi32>
    %add3A_56 = arith.addi %broadcast_in_dim3A_53, %add3A_55 : vector<1x1x512xi32>
    %swap3A_57 = arith.constant 0 : index
    %swap3A_58 = arith.constant 0 : index
    %swap3A_59 = arith.constant 0 : index
    %swap3A_60 = vector.load %arg6[%swap3A_57, %swap3A_58, %swap3A_59] : memref<1x1x512xi32, #tpu.memory_space<vmem>>, vector<1x1x512xi32>
    tpu.vector_store %arg6[%swap3A_57, %swap3A_58, %swap3A_59], %add3A_56 {strides = array<i32>} : memref<1x1x512xi32, #tpu.memory_space<vmem>>, vector<1x1x512xi32>,
    return
  }
  func.func @transform_0(%arg0: i32) -> (i32, i32, i32) {
    %c0_i32 = arith.constant 0 : i32
    %c0_i32_0 = arith.constant 0 : i32
    %c0_i32_1 = arith.constant 0 : i32
    return %arg0, %c0_i32, %c0_i32_0 : i32, i32, i32
  }
  func.func @transform_1(%arg0: i32) -> (i32, i32, i32) {
    %c0_i32 = arith.constant 0 : i32
    %c0_i32_0 = arith.constant 0 : i32
    %c0_i32_1 = arith.constant 0 : i32
    return %arg0, %c0_i32, %c0_i32_0 : i32, i32, i32
  }
  func.func @transform_2(%arg0: i32) -> (i32, i32, i32) {
    %c0_i32 = arith.constant 0 : i32
    %c0_i32_0 = arith.constant 0 : i32
    %c0_i32_1 = arith.constant 0 : i32
    return %arg0, %c0_i32, %c0_i32_0 : i32, i32, i32
  }
  func.func @transform_3(%arg0: i32) -> (i32, i32, i32) {
    %c0_i32 = arith.constant 0 : i32
    %c0_i32_0 = arith.constant 0 : i32
    %c0_i32_1 = arith.constant 0 : i32
    return %arg0, %c0_i32, %c0_i32_0 : i32, i32, i32
  }
  func.func @transform_4(%arg0: i32) -> (i32, i32, i32) {
    %c0_i32 = arith.constant 0 : i32
    %c0_i32_0 = arith.constant 0 : i32
    %c0_i32_1 = arith.constant 0 : i32
    return %arg0, %c0_i32, %c0_i32_0 : i32, i32, i32
  }
  func.func @transform_5(%arg0: i32) -> (i32, i32, i32) {
    %c0_i32 = arith.constant 0 : i32
    %c0_i32_0 = arith.constant 0 : i32
    %c0_i32_1 = arith.constant 0 : i32
    return %arg0, %c0_i32, %c0_i32_0 : i32, i32, i32
  }
}

</mosaic_0001>

<sc_bundles>
// kernel: gather_offload_async_start.1
scs
__scs_entry_jumppad:
0x0: {  	(pc) =	sbr.rel $0x88, $3  }
0x1: {  	(tag) =	ssettag $0x0;
	lr =	simm.s32 $0x1  }
0x2: {  	[smem:$0x3F9F] =	sst lr;
	_ =	strace $0xD0000000  }
0x3: {  	_ = 	snop  }
0x4: {  	_ = 	snop  }
0x5: {  	_ = 	snop  }
0x6: {  	_ = 	snop  }
0x7: {  	_ = 	snop  }
__scs_overlays_trampoline_lowered:
0x8: {  	[smem:$0x3FAE] =	sst s0  }
0x9: {  	[smem:$0x3FAF] =	sst s1  }
0xa: {  	[smem:$0x3FB0] =	sst s2  }
0xb: {  	[smem:$0x3FB1] =	sst s3  }
0xc: {  	[smem:$0x3FB2] =	sst s4  }
0xd: {  	[smem:$0x3FB3] =	sst s5  }
0xe: {  	[smem:$0x3FB4] =	sst s6  }
0xf: {  	[smem:$0x3FB5] =	sst s7  }
0x10: {  	[smem:$0x3FB6] =	sst s8  }
0x11: {  	[smem:$0x3FB7] =	sst s9;
	s0 =	simm.s32 @!p0 $0x0  }
0x12: {  	s1 =	sld [smem:$0x3F9D];
	s0 =	simm.s32 @p0 $0x1  }
0x13: {  	[smem:$0x3FB8] =	sst s0;
	s0 =	simm.s32 @!p1 $0x0  }
0x14: {  	s2 =	sld [smem:$0x3F9C];
	s0 =	simm.s32 @p1 $0x1  }
0x15: {  	[smem:$0x3FB9] =	sst s0;
	s0 =	simm.s32 @!p2 $0x0  }
0x16: {  	s3 =	sld [smem:$0x3FDB];
	s0 =	simm.s32 @p2 $0x1  }
0x17: {  	s4 =	simm.s32 $0x1BF5;
	[smem:$0x3FBB] =	sst s0  }
0x18: {  	s0 =	sld [smem:$0x3F9E];
	_ =	swait.ge [sflag:s4], $0x0  }
0x19: {  	s7 =	sld [smem:$0x3F9F]  }
0x1a: {  	s8 =	sadd.s32 $0xFFFFE003, lr  }
0x1b: {  	s9 =	sadd.s32 $0xFFFFFEF7, lr;
	s5 =	simm.s32 $0xFFFFFFFF;
	p2 =	slt.u32 s8, $0xFFFFF086  }
0x1c: {  	p1 =	slt.u32 s9, $0xF7A;
	s5 =	simm.s32 @!p2 $0x0  }
0x1d: {  	s5 =	simm.s32 @p1 $0x1;
	p0 =	seq.s32 s7, s2  }
0x1e: {  	s7 =	smul.u32 @!p0 $0xF7A, s2;
	p2 =	seq.s32 @!p0 s5, $0x0  }
0x1f: {  	s9 =	smul.u32 $0xF7A, s1;
	s8 =	simm.s32 @!p0 $0x1BF5;
	p2 =	por !p2, p0  }
0x20: {  	[sflag:s8] =	ssyncset.s32 @!p0 $0xFFFFF086;
	s6 =	sadd.s32 @!p0 s3, s7;
	s7 =	simm.s32 @!p0 $0x108  }
0x21: {  	s3 =	sadd.s32 s3, s9;
	s6 =	sadd.s32 @!p0 $0x88, s6;
	s7 =	simm.s32 @p2 $0x1082  }
0x22: {  	[simem:s7], [sflag:s8] =	dma.local @!p0 [hbm:s6], $0xF7A  }
0x23: {  	s9 =	sor.u32 $0xD0000000, s2;
	s6 =	simm.s32 $0x108;
	_ =	swait.ge @!p0 [sflag:s8], $0x0  }
0x24: {  	s3 =	sadd.s32 $0x88, s3;
	s6 =	simm.s32 @!p1 $0x1082;
	[sflag:s4] =	ssyncset.s32 $0xFFFFF086  }
0x25: {  	[simem:s6], [sflag:s4] =	dma.local [hbm:s3], $0xF7A  }
0x26: {  	[smem:$0x3F9F] =	sst s1;
	(tag) =	ssettag s2;
	_ =	strace s9  }
0x27: {  	s1 =	sld [smem:$0x3FAF]  }
0x28: {  	s2 =	sld [smem:$0x3FB0]  }
0x29: {  	s4 =	sld [smem:$0x3FB2]  }
0x2a: {  	p0 =	seq.s32 s5, $0x0;
	s5 =	sld [smem:$0x3FB3]  }
0x2b: {  	s6 =	sld [smem:$0x3FB4]  }
0x2c: {  	s7 =	sld [smem:$0x3FB5]  }
0x2d: {  	s3 =	simm.s32 $0x108;
	s8 =	sld [smem:$0x3FB6]  }
0x2e: {  	s3 =	simm.s32 @!p0 $0x1082;
	s9 =	sld [smem:$0x3FB7]  }
0x2f: {  	lr =	sadd.s32 s0, s3;
	s0 =	sld [smem:$0x3FAE]  }
0x30: {  	s3 =	sld [smem:$0x3FB1]  }
0x31: {  	[smem:$0x3FBA] =	sst s10  }
0x32: {  	s10 =	sld [smem:$0x3FB8];
	_ =	sdelay $0x3  }
0x33: {  	p0 =	seq.s32 s10, $0x1;
	s10 =	sld [smem:$0x3FBA];
	_ =	sdelay $0x3  }
0x34: {  	[smem:$0x3FBA] =	sst s10  }
0x35: {  	s10 =	sld [smem:$0x3FB9];
	_ =	sdelay $0x3  }
0x36: {  	p1 =	seq.s32 s10, $0x1;
	s10 =	sld [smem:$0x3FBA];
	_ =	sdelay $0x3  }
0x37: {  	[smem:$0x3FBA] =	sst s10  }
0x38: {  	s10 =	sld [smem:$0x3FBB]  }
0x39: {  	_ = 	snop;
	(pc) =	sbr.ind lr, $3  }
0x3a: {  	_ = 	snop  }
0x3b: {  	_ = 	snop  }
0x3c: {  	p2 =	seq.s32 s10, $0x1;
	s10 =	sld [smem:$0x3FBA]  }
0x3d: {  	_ =	shalt  }
0x3e: {  	_ =	shalt  }
0x3f: {  	_ =	shalt  }
0x40: {  	_ =	shalt  }
0x41: {  	_ =	shalt  }
0x42: {  	_ =	shalt  }
0x43: {  	_ =	shalt  }
0x44: {  	_ =	shalt  }
0x45: {  	_ =	shalt  }
0x46: {  	_ =	shalt  }
0x47: {  	_ =	shalt  }
0x48: {  	_ =	shalt  }
0x49: {  	_ =	shalt  }
0x4a: {  	_ =	shalt  }
0x4b: {  	_ =	shalt  }
0x4c: {  	_ =	shalt  }
0x4d: {  	_ =	shalt  }
0x4e: {  	_ =	shalt  }
0x4f: {  	_ =	shalt  }
0x50: {  	_ =	shalt  }
0x51: {  	_ =	shalt  }
0x52: {  	_ =	shalt  }
0x53: {  	_ =	shalt  }
0x54: {  	_ =	shalt  }
0x55: {  	_ =	shalt  }
0x56: {  	_ =	shalt  }
0x57: {  	_ =	shalt  }
0x58: {  	_ =	shalt  }
0x59: {  	_ =	shalt  }
0x5a: {  	_ =	shalt  }
0x5b: {  	_ =	shalt  }
0x5c: {  	_ =	shalt  }
0x5d: {  	_ =	shalt  }
0x5e: {  	_ =	shalt  }
0x5f: {  	_ =	shalt  }
0x60: {  	_ =	shalt  }
0x61: {  	_ =	shalt  }
0x62: {  	_ =	shalt  }
0x63: {  	_ =	shalt  }
0x64: {  	_ =	shalt  }
0x65: {  	_ =	shalt  }
0x66: {  	_ =	shalt  }
0x67: {  	_ =	shalt  }
0x68: {  	_ =	shalt  }
0x69: {  	_ =	shalt  }
0x6a: {  	_ =	shalt  }
0x6b: {  	_ =	shalt  }
0x6c: {  	_ =	shalt  }
0x6d: {  	_ =	shalt  }
0x6e: {  	_ =	shalt  }
0x6f: {  	_ =	shalt  }
0x70: {  	_ =	shalt  }
0x71: {  	_ =	shalt  }
0x72: {  	_ =	shalt  }
0x73: {  	_ =	shalt  }
0x74: {  	_ =	shalt  }
0x75: {  	_ =	shalt  }
0x76: {  	_ =	shalt  }
0x77: {  	_ =	shalt  }
0x78: {  	_ =	shalt  }
0x79: {  	_ =	shalt  }
0x7a: {  	_ =	shalt  }
0x7b: {  	_ =	shalt  }
0x7c: {  	_ =	shalt  }
0x7d: {  	_ =	shalt  }
0x7e: {  	_ =	shalt  }
0x7f: {  	_ =	shalt  }
0x80: {  	_ =	shalt  }
0x81: {  	_ =	shalt  }
0x82: {  	_ =	shalt  }
0x83: {  	_ =	shalt  }
0x84: {  	_ =	shalt  }
0x85: {  	_ =	shalt  }
0x86: {  	_ =	shalt  }
0x87: {  	_ =	shalt  }
.Lfunc_end0:
.L_simem_size_0:
called_computation.1_lowered:
.L_overlay_start_0:
0x88: {  	s2 =	sld [smem:$0x3FD9]  }
0x89: {  	s3 =	sld [smem:$0x3FFE];
	_ =	sdelay $0x1  }
0x8a: {  	s1 =	srdreg.scid  }
0x8b: {  	s0 =	sand.u32 $0x1, s1  }
0x8c: {  	s16 =	sshll.u32 s0, $0xA;
	s2 =	sadd.s32 s3, s2  }
0x8d: {  	s2 =	sadd.s32 s2, s16  }
0x8e: {  	[smem:$0x3FC6] =	sst s2  }
0x8f: {  	_ = 	snop  }
0x90: {  	(tm) =	ssettm $0x1  }
0x91: {  	s17 =	sld [smem:$0x3FFB];
	_ =	sdelay $0x3  }
0x92: {  	_ =	strace s17  }
0x93: {  	s2 =	sld [smem:$0x3FFC];
	_ =	sdelay $0x3  }
0x94: {  	_ =	strace s2  }
0x95: {  	s2 =	sld [smem:$0x3FFD];
	_ =	sdelay $0x3  }
0x96: {  	_ =	strace s2  }
0x97: {  	_ =	strace $0x8FFFFFFF  }
0x98: {  	s18 =	sld [smem:$0x3FDB];
	_ =	sdelay $0x1  }
0x99: {  	s19 =	simm.s32 $_scs_section_size  }
0x9a: {  	s4 =	simm.s32 $_size__tile_overlayer_lowered;
	s5 =	simm.s32 $_tile_overlayer_lowered  }
0x9b: {  	s22 =	simm.s32 $0x1BFF;
	s21 =	sshll.u32 s5, $0x1;
	s2 =	sadd.s32 s19, s18  }
0x9c: {  	s6 =	simm.s32 $0x0;
	s20 =	sshll.u32 s4, $0x1;
	s4 =	sadd.s32 s21, s2  }
0x9d: {  	[timem:s6], [sflag:s22] =	dma.local [hbm:s4], s20  }
0x9e: {  	_ =	swait.ge [sflag:s22], s20  }
0x9f: {  	s3 =	ssub.s32 $0x0, s20;
	[sflag:s22] =	ssyncset.done $0x0  }
0xa0: {  	[sflag:s22] =	ssyncadd.s32 s3;
	_ =	sdelay $0x1  }
0xa1: {  	s23 =	simm.s32 $0x1B8B  }
0xa2: {  	_ =	swait.ge [sflag:s23], $0x1  }
0xa3: {  	[sflag:s23] =	ssyncset.done $0x0  }
0xa4: {  	s25 =	simm.s32 $0x1B8E;
	s24 =	sld [smem:$0x3FFE];
	[sflag:s23] =	ssyncadd.s32 $0xFFFFFFFF  }
0xa5: {  	s26 =	simm.s32 $execute0_lowered;
	[smem:$0x3FD2] =	sst s25  }
0xa6: {  	s4 =	sshll.u32 s26, $0x1;
	_ =	strace $0x80000046;
	[dreg:$0x1] =	wrdreg $0xFFFFFFFF  }
0xa7: {  	s28 =	simm.s32 $_size_execute0_lowered;
	s2 =	sadd.s32 s2, s4;
	[dreg:$0x0] =	wrdreg $0x0  }
0xa8: {  	s4 =	sshll.u32 s28, $0x1;
	[dreg:$0x2] =	wrdreg s2  }
0xa9: {  	[dreg:$0x3] =	wrdreg s4  }
0xaa: {  	[dreg:$0x4] =	wrdreg $0xC0  }
0xab: {  	_ =	task [dreg:s6], $0x5FFFF  }
0xac: {  	[dreg:$0x1] =	wrdreg $0xFFFFFFFF  }
0xad: {  	[dreg:$0x0] =	wrdreg $0x60  }
0xae: {  	[dreg:$0x2] =	wrdreg s24  }
0xaf: {  	[dreg:$0x3] =	wrdreg $0x9  }
0xb0: {  	_ =	task.clear_ibuf [dreg:s6], $0x4FFFF;
	_ =	strace $0x90000046  }
0xb1: {  	s29 =	simm.s32 $0x9;
	_ =	strace $0x80000048  }
0xb2: {  	_ =	swait.ge [sflag:s29], $0x1  }
0xb3: {  	[sflag:s29] =	ssyncadd.s32 $0xFFFFFFFF  }
0xb4: {  	_ =	strace $0x90000048  }
0xb5: {  	_ =	sfence  }
0xb6: {  	s30 =	sld [smem:$0x0];
	_ =	sdelay $0x2  }
0xb7: {  	s31 =	sshll.u32 s1, $0xD;
	s1 =	sshrl.u32 s1, $0x2  }
0xb8: {  	s3 =	sand.u32 $0x4000, s31;
	s1 =	sadd.s32 s1, s30  }
0xb9: {  	s0 =	sor.u32 s3, s0;
	s1 =	sshll.u32 s1, $0x11  }
0xba: {  	s0 =	sor.u32 s1, s0  }
0xbb: {  	s0 =	sadd.s32 $0x8F2B, s0  }
0xbc: {  	[sflag:s0] =	ssyncadd.remote.s32 $0x1  }
0xbd: {  	_ =	sfence.sel $0xFFFF  }
0xbe: {  	[dreg:$0x0] =	wrdreg $0xFFFFFFFF;
	(pc) =	sbr.abs _section_cstart, $3  }
0xbf: {  	[dreg:$0x1] =	wrdreg $0xFFFFFFFF  }
0xc0: {  	_ =	task.clear_ibuf [dreg:s6], $0x2FFFF;
	_ =	strace $0x9FFFFFFF  }
0xc1: {  	(tm) =	ssettm $0x7FFFFFFF  }
tec
execute0_lowered:
.L_overlay_start_1:
0x0: {  	(tag) =	ssettag $0x1  }
0x1: {  	s1 =	srdreg.scid  }
0x2: {  	s0 =	stileid.u32;
	s2 =	rddreg [dreg:$0x0];
	s6 =	simm.s32 $0x1  }
0x3: {  	s9 =	simm.s32 $0x1;
	s10 =	simm.s32 $0x3;
	s1 =	sshll.u32 s1, $0x8  }
0x4: {  	s13 =	simm.s32 $0x0;
	s3 =	sshll.u32 s0, $0x9;
	s4 =	sand.u32 $0x100, s1  }
0x5: {  	s12 =	simm.s32 $0x0;
	s5 =	sadd.s32 $0x3800, s2;
	s3 =	sor.u32 s3, s4  }
0x6: {  	s1 =	rddreg [dreg:$0x1];
	_ =	strace $0x80000047;
	s8 =	ssub.s32 $0x4000, s3  }
.Ltmp0:
0x7: {  	s4 =	sadd.s32 $0x3000, s2;
	s7 =	sand.u32 $0x1F00, s8;
	(pc) =	sbr.rel .LBB2_1-.Ltmp0, $4  }
0x8: {  	[sflag:s6] =	ssyncpa.u1 $0x0;
	s11 =	smov.u32 s3;
	p0 =	sne.s32 s7, $0x0  }
0x9: {  	s8 =	sshrl.u32 s8, $0xD;
	s7 =	simm.s32 $0x2;
	s9 =	simm.s32 @!p0 $0x0  }
0xa: {  	[sflag:s7] =	ssyncpa.u1 $0x0;
	p0 =	por $0x0, $0x0;
	s8 =	sadd.s32 s9, s8  }
0xb: {  	vm0 =	vmmov $0xffff;
	[sflag:s10] =	ssyncpa.u1 $0x0;
	s10 =	simm.s32 $0x0;
	s9 =	sadd.s32 $0x1, s8  }
.LBB2_4:
0xc: {  	vm1 =	veq.s32 v4, $0x80000000;
	v56 =	vand.u32 $0x3, v4;
	v6 =	vand.u32 $0x7FFF, v6  }
0xd: {  	v2 =	vor.u32 v2, v5;
	v59 =	vshrl.u32 v1, $0x2;
	v60 =	vand.u32 $0x3, v1  }
0xe: {  	v4 =	vsel vm1, $0xFFFFFFFF, v56;
	v6 =	vsel vm1, $0xFFFFFFFF, v6;
	v2 =	vor.u32 v3, v2  }
0xf: {  	vm1 =	veq.s32 v1, $0x80000000;
	v5 =	vand.u32 $0x7FFF, v59;
	v7 =	vshrl.u32 v4, $0x2  }
0x10: {  	v57 =	vshll.u32 v6, $0x2;
	v4 =	vshll.u32 v4, $0x7;
	v1 =	vsel vm1, $0xFFFFFFFF, v60  }
0x11: {  	v5 =	vsel vm1, $0xFFFFFFFF, v5;
	v6 =	vand.u32 $0x7F, v6;
	v7 =	vmul.u32 $0x13A00, v7  }
0x12: {  	v58 =	vand.u32 $0xFFFFFE00, v57;
	v4 =	vand.u32 $0x180, v4;
	v61 =	vshrl.u32 v1, $0x2  }
0x13: {  	v62 =	vshll.u32 v5, $0x2;
	v3 =	vadd.s32 v7, v58;
	v7 =	vmul.u32 $0x13A00, v61  }
0x14: {  	v1 =	vshll.u32 v1, $0x7;
	v3 =	vor.u32 v4, v3;
	v4 =	vand.u32 $0xFFFFFE00, v62  }
0x15: {  	v1 =	vand.u32 $0x180, v1;
	v3 =	vor.u32 v6, v3;
	v4 =	vadd.s32 v7, v4  }
0x16: {  	[tilespmem:s16], [sflag:$0x1] =	stream.indirect_vreg.gather [hbm4b:s2+s10], $0x1, v0, vm0, $0x4038;
	v63 =	vand.u32 $0x7F, v5;
	v1 =	vor.u32 v1, v4;
	[tilespmem:$0x400] =	vst v63  }
0x17: {  	s15 =	sadd.s32 $0x10, s15;
	(ifvalue) =	ssetifvalue $0x7FFFFFFF;
	v0 =	vor.u32 v63, v1  }
0x18: {  	[tilespmem:s15], [sflag:$0x1] =	stream.indirect_vreg.gather [hbm4b:s2+s10], $0x1, v2, vm0, $0x4038;
	[tilespmem:$0x400] =	vst v63  }
0x19: {  	s15 =	sadd.s32 $0x10, s15;
	(ifvalue) =	ssetifvalue $0x7FFFFFFF  }
0x1a: {  	[tilespmem:s15], [sflag:$0x1] =	stream.indirect_vreg.gather [hbm4b:s2+s10], $0x1, v3, vm0, $0x4038;
	[tilespmem:$0x400] =	vst v63  }
0x1b: {  	s15 =	sadd.s32 $0x10, s15;
	(ifvalue) =	ssetifvalue $0x7FFFFFFF  }
0x1c: {  	[tilespmem:s15], [sflag:$0x1] =	stream.indirect_vreg.gather [hbm4b:s2+s10], $0x1, v0, vm0, $0x4038;
	[tilespmem:$0x400] =	vst v63  }
0x1d: {  	_ =	swait.ge [sflag:s6], $0x100  }
0x1e: {  	s30 =	sshrl.u32 s13, $0x3;
	[sflag:s6] =	ssyncset.done $0x0  }
0x1f: {  	s31 =	sand.u32 $0x7, s13;
	s15 =	sadd.s32 s5, s30;
	[sflag:s6] =	ssyncadd.s32 $0xFFFFFF00  }
0x20: {  	[hbm4b:s15+s31] =	stream.linear.scatter [tilespmem:s14], [sflag:$0x3], $0x100, $0x38;
	[tilespmem:$0x400] =	vst v63  }
.LBB2_5:
0x21: {  	s15 =	sadd.s32 $0x2000, s11  }
0x22: {  	p2 =	sgt.s32 s15, $0x3FFF  }
0x23: {  	s15 =	smov.u32 @p2 s3;
	p2 =	sne.s32 s12, s9  }
.Ltmp1:
0x24: {  	p1 =	slt.u32 s12, $0x2;
	(pc) =	sbr.rel @!p2 .LBB2_6-.Ltmp1, $4  }
0x25: {  	s14 =	simm.s32 @!p1 $0x3  }
0x26: {  	s16 =	sadd.s32 $0x1, s12;
	_ =	swait.ge @!p1 [sflag:s14], $0x100  }
0x27: {  	s13 =	smov.u32 s11;
	p0 =	por !p0, !p0;
	[sflag:s14] =	ssyncset.done @!p1 $0x0  }
0x28: {  	s12 =	smov.u32 s16;
	s11 =	smov.u32 s15;
	[sflag:s14] =	ssyncadd.s32 @!p1 $0xFFFFFF00  }
.LBB2_1:
0x29: {  	p1 =	sge.u32 s12, s8  }
0x2a: {  	s14 =	sxor.u32 @!p1 $0xFFFFFFFF, s12  }
0x2b: {  	s31 =	sadd.s32 $0xFFFFFFFF, s12;
	s15 =	sshrl.u32 @!p1 s11, $0x3;
	s14 =	sshll.u32 @!p1 s14, $0x8  }
0x2c: {  	s16 =	sand.u32 @!p1 $0x7, s11;
	s15 =	sadd.s32 @!p1 s4, s15;
	s14 =	sand.u32 @!p1 $0x100, s14  }
0x2d: {  	[tilespmem:s14], [sflag:$0x2] =	stream.linear.gather @!p1 [hbm4b:s15+s16], $0x100, $0x38;
	[tilespmem:$0x400] =	vst v63  }
0x2e: {  	p1 =	sge.u32 s31, s8  }
.Ltmp2:
0x2f: {  	_ = 	snop;
	(pc) =	sbr.rel @p1 .LBB2_5-.Ltmp2, $1  }
0x30: {  	_ =	sdelay $0x3  }
0x31: {  	s14 =	simm.s32 $0x1  }
0x32: {  	_ =	swait.ge [sflag:s7], $0x100;
	s14 =	simm.s32 @!p0 $0x0  }
0x33: {  	[sflag:s7] =	ssyncset.done $0x0;
	s14 =	sshll.u32 s14, $0x8  }
0x34: {  	[sflag:s7] =	ssyncadd.s32 $0xFFFFFF00;
	(ifvalue) =	ssetifvalue $0x7FFFFFFF;
	v0 =	vld.msk [tilespmem:s14+$0x0 ss:$0x1], $0xffff  }
0x35: {  	s15 =	sadd.s32 $0x10, s14  }
0x36: {  	v1 =	vld.msk [tilespmem:s15+$0x0 ss:$0x1], $0xffff;
	_ =	sdelay $0x2  }
0x37: {  	v2 =	vshrl.u32 v0, $0x2  }
0x38: {  	vm1 =	veq.s32 v0, $0x80000000;
	v0 =	vand.u32 $0x3, v0;
	v2 =	vand.u32 $0x7FFF, v2  }
0x39: {  	v0 =	vsel vm1, $0xFFFFFFFF, v0;
	v6 =	vshrl.u32 v1, $0x2;
	v2 =	vsel vm1, $0xFFFFFFFF, v2  }
0x3a: {  	v3 =	vshrl.u32 v0, $0x2;
	v0 =	vshll.u32 v0, $0x7;
	vm1 =	veq.s32 v1, $0x80000000  }
0x3b: {  	s15 =	sadd.s32 $0x10, s15;
	v1 =	vand.u32 $0x3, v1;
	v4 =	vshll.u32 v2, $0x2;
	v3 =	vmul.u32 $0x13A00, v3  }
0x3c: {  	v0 =	vand.u32 $0x180, v0;
	v7 =	vand.u32 $0x7F, v2;
	v5 =	vand.u32 $0xFFFFFE00, v4;
	v4 =	vld.msk [tilespmem:s15+$0x0 ss:$0x1], $0xffff  }
0x3d: {  	v1 =	vsel vm1, $0xFFFFFFFF, v1;
	v2 =	vadd.s32 v3, v5;
	v3 =	vand.u32 $0x7FFF, v6  }
0x3e: {  	v3 =	vsel vm1, $0xFFFFFFFF, v3;
	v0 =	vor.u32 v0, v2;
	v2 =	vshrl.u32 v1, $0x2  }
0x3f: {  	s16 =	sshll.u32 s12, $0x8;
	s18 =	simm.s32 $0x30;
	v1 =	vshll.u32 v1, $0x7;
	v5 =	vshll.u32 v3, $0x2;
	v8 =	vmul.u32 $0x13A00, v2  }
0x40: {  	s31 =	sand.u32 $0x100, s16;
	s17 =	sadd.s32 $0x10, s15;
	s15 =	sor.u32 $0x200, s14;
	v2 =	vand.u32 $0x180, v1;
	v0 =	vor.u32 v7, v0;
	v5 =	vand.u32 $0xFFFFFE00, v5  }
0x41: {  	s14 =	sor.u32 $0x200, s31;
	s16 =	smov.u32 s15;
	v1 =	vld.msk [tilespmem:s17+$0x0 ss:$0x1], $0xffff;
	v3 =	vand.u32 $0x7F, v3;
	(ifvalue) =	ssetifvalue $0x7FFFFFFF;
	v6 =	vshrl.u32 v4, $0x2;
	v5 =	vadd.s32 v8, v5  }
.LBB2_3:
0x42: {  	s18 =	sadd.s32 $0x10, s18  }
0x43: {  	vm1 =	veq.s32 v4, $0x80000000;
	v4 =	vand.u32 $0x3, v4;
	v6 =	vand.u32 $0x7FFF, v6;
	s15 =	sadd.s32 $0x10, s15;
	p1 =	slt.u32 s18, $0xF0  }
.Ltmp3:
0x44: {  	v5 =	vor.u32 v2, v5;
	v4 =	vsel vm1, $0xFFFFFFFF, v4;
	v7 =	vsel vm1, $0xFFFFFFFF, v6;
	(pc) =	sbr.rel @p1 .LBB2_3-.Ltmp3, $4  }
0x45: {  	v2 =	vshrl.u32 v4, $0x2;
	v6 =	vshll.u32 v7, $0x2;
	v4 =	vshll.u32 v4, $0x7;
	[tilespmem:s16], [sflag:$0x1] =	stream.indirect_vreg.gather [hbm4b:s2+s10], $0x1, v0, vm0, $0x4038;
	[tilespmem:$0x400] =	vst v63  }
0x46: {  	v0 =	vor.u32 v3, v5;
	s16 =	smov.u32 s15;
	v8 =	vmul.u32 $0x13A00, v2;
	v2 =	vand.u32 $0x180, v4  }
0x47: {  	s17 =	sadd.s32 $0x10, s17;
	v9 =	vand.u32 $0xFFFFFE00, v6  }
0x48: {  	v3 =	vand.u32 $0x7F, v7;
	v6 =	vshrl.u32 v1, $0x2;
	v5 =	vadd.s32 v8, v9;
	(ifvalue) =	ssetifvalue $0x7FFFFFFF;
	v4 =	vmovc v1;
	v1 =	vld.msk [tilespmem:s17+$0x0 ss:$0x1], $0xffff  }
.Ltmp4:
0x49: {  	_ = 	snop;
	(pc) =	sbr.rel .LBB2_4-.Ltmp4, $1  }
0x4a: {  	_ =	sdelay $0x3  }
.LBB2_6:
0x4b: {  	_ =	sfence.sel $0x180000  }
0x4c: {  	s2 =	simm.s32 $0x2;
	[bflag:$0x0] =	sbarrier.arrive $0xFFFF  }
0x4d: {  	s30 =	simm.s32 $0x3;
	[sflag:s2] =	ssyncpa.u1 $0x1  }
0x4e: {  	s31 =	simm.s32 $0x1;
	[sflag:s30] =	ssyncpa.u1 $0x1  }
0x4f: {  	[sflag:s31] =	ssyncpa.u1 $0x1  }
0x50: {  	p0 =	sne.s32 s0, $0x0;
	_ =	strace $0x90000047  }
0x51: {  	s0 =	sadd.s32 @!p0 $0x100000, s1;
	[bflag:$0x2] =	sbarrier.arrive $0xFFFF  }
0x52: {  	[sflag:s0] =	ssyncadd.tile.s32 @!p0 $0x1;
	_ =	shalt  }
.Lfunc_end2:
_tile_overlayer_lowered:
.L_overlay_start_2:
0x53: {  	(tag) =	ssettag $0x2  }
0x54: {  	s0 =	rddreg [dreg:$0x0];
	s2 =	stileid.u32  }
0x55: {  	s1 =	rddreg [dreg:$0x1];
	p0 =	sne.s32 s2, $0x0  }
0x56: {  	s3 =	rddreg [dreg:$0x2];
	[bflag:$0x3] =	sbarrier.arrive $0xFFFF;
	s2 =	simm.s32 @!p0 $0x1C01  }
0x57: {  	[timem:s3], [sflag:s2] =	dma.local @!p0 [hbm:s0], s1  }
0x58: {  	s0 =	simm.s32 @!p0 $0x1  }
0x59: {  	_ =	swait.ge @!p0 [sflag:s0], s1  }
0x5a: {  	s1 =	ssub.s32 @!p0 $0x0, s1;
	[sflag:s0] =	ssyncset.done @!p0 $0x0  }
0x5b: {  	[sflag:s0] =	ssyncadd.s32 @!p0 s1  }
0x5c: {  	[bflag:$0x3] =	sbarrier.arrive $0xFFFF  }
0x5d: {  	_ =	shalt  }

// kernel: gather_offload_async_start
scs
__scs_entry_jumppad:
0x0: {  	(pc) =	sbr.rel $0x88, $3  }
0x1: {  	(tag) =	ssettag $0x0;
	lr =	simm.s32 $0x1  }
0x2: {  	[smem:$0x3F9F] =	sst lr;
	_ =	strace $0xD0000000  }
0x3: {  	_ = 	snop  }
0x4: {  	_ = 	snop  }
0x5: {  	_ = 	snop  }
0x6: {  	_ = 	snop  }
0x7: {  	_ = 	snop  }
__scs_overlays_trampoline_lowered:
0x8: {  	[smem:$0x3FAE] =	sst s0  }
0x9: {  	[smem:$0x3FAF] =	sst s1  }
0xa: {  	[smem:$0x3FB0] =	sst s2  }
0xb: {  	[smem:$0x3FB1] =	sst s3  }
0xc: {  	[smem:$0x3FB2] =	sst s4  }
0xd: {  	[smem:$0x3FB3] =	sst s5  }
0xe: {  	[smem:$0x3FB4] =	sst s6  }
0xf: {  	[smem:$0x3FB5] =	sst s7  }
0x10: {  	[smem:$0x3FB6] =	sst s8  }
0x11: {  	[smem:$0x3FB7] =	sst s9;
	s0 =	simm.s32 @!p0 $0x0  }
0x12: {  	s1 =	sld [smem:$0x3F9D];
	s0 =	simm.s32 @p0 $0x1  }
0x13: {  	[smem:$0x3FB8] =	sst s0;
	s0 =	simm.s32 @!p1 $0x0  }
0x14: {  	s2 =	sld [smem:$0x3F9C];
	s0 =	simm.s32 @p1 $0x1  }
0x15: {  	[smem:$0x3FB9] =	sst s0;
	s0 =	simm.s32 @!p2 $0x0  }
0x16: {  	s3 =	sld [smem:$0x3FDB];
	s0 =	simm.s32 @p2 $0x1  }
0x17: {  	s4 =	simm.s32 $0x1BF5;
	[smem:$0x3FBB] =	sst s0  }
0x18: {  	s0 =	sld [smem:$0x3F9E];
	_ =	swait.ge [sflag:s4], $0x0  }
0x19: {  	s7 =	sld [smem:$0x3F9F]  }
0x1a: {  	s8 =	sadd.s32 $0xFFFFE003, lr  }
0x1b: {  	s9 =	sadd.s32 $0xFFFFFEF7, lr;
	s5 =	simm.s32 $0xFFFFFFFF;
	p2 =	slt.u32 s8, $0xFFFFF086  }
0x1c: {  	p1 =	slt.u32 s9, $0xF7A;
	s5 =	simm.s32 @!p2 $0x0  }
0x1d: {  	s5 =	simm.s32 @p1 $0x1;
	p0 =	seq.s32 s7, s2  }
0x1e: {  	s7 =	smul.u32 @!p0 $0xF7A, s2;
	p2 =	seq.s32 @!p0 s5, $0x0  }
0x1f: {  	s9 =	smul.u32 $0xF7A, s1;
	s8 =	simm.s32 @!p0 $0x1BF5;
	p2 =	por !p2, p0  }
0x20: {  	[sflag:s8] =	ssyncset.s32 @!p0 $0xFFFFF086;
	s6 =	sadd.s32 @!p0 s3, s7;
	s7 =	simm.s32 @!p0 $0x108  }
0x21: {  	s3 =	sadd.s32 s3, s9;
	s6 =	sadd.s32 @!p0 $0x88, s6;
	s7 =	simm.s32 @p2 $0x1082  }
0x22: {  	[simem:s7], [sflag:s8] =	dma.local @!p0 [hbm:s6], $0xF7A  }
0x23: {  	s9 =	sor.u32 $0xD0000000, s2;
	s6 =	simm.s32 $0x108;
	_ =	swait.ge @!p0 [sflag:s8], $0x0  }
0x24: {  	s3 =	sadd.s32 $0x88, s3;
	s6 =	simm.s32 @!p1 $0x1082;
	[sflag:s4] =	ssyncset.s32 $0xFFFFF086  }
0x25: {  	[simem:s6], [sflag:s4] =	dma.local [hbm:s3], $0xF7A  }
0x26: {  	[smem:$0x3F9F] =	sst s1;
	(tag) =	ssettag s2;
	_ =	strace s9  }
0x27: {  	s1 =	sld [smem:$0x3FAF]  }
0x28: {  	s2 =	sld [smem:$0x3FB0]  }
0x29: {  	s4 =	sld [smem:$0x3FB2]  }
0x2a: {  	p0 =	seq.s32 s5, $0x0;
	s5 =	sld [smem:$0x3FB3]  }
0x2b: {  	s6 =	sld [smem:$0x3FB4]  }
0x2c: {  	s7 =	sld [smem:$0x3FB5]  }
0x2d: {  	s3 =	simm.s32 $0x108;
	s8 =	sld [smem:$0x3FB6]  }
0x2e: {  	s3 =	simm.s32 @!p0 $0x1082;
	s9 =	sld [smem:$0x3FB7]  }
0x2f: {  	lr =	sadd.s32 s0, s3;
	s0 =	sld [smem:$0x3FAE]  }
0x30: {  	s3 =	sld [smem:$0x3FB1]  }
0x31: {  	[smem:$0x3FBA] =	sst s10  }
0x32: {  	s10 =	sld [smem:$0x3FB8];
	_ =	sdelay $0x3  }
0x33: {  	p0 =	seq.s32 s10, $0x1;
	s10 =	sld [smem:$0x3FBA];
	_ =	sdelay $0x3  }
0x34: {  	[smem:$0x3FBA] =	sst s10  }
0x35: {  	s10 =	sld [smem:$0x3FB9];
	_ =	sdelay $0x3  }
0x36: {  	p1 =	seq.s32 s10, $0x1;
	s10 =	sld [smem:$0x3FBA];
	_ =	sdelay $0x3  }
0x37: {  	[smem:$0x3FBA] =	sst s10  }
0x38: {  	s10 =	sld [smem:$0x3FBB]  }
0x39: {  	_ = 	snop;
	(pc) =	sbr.ind lr, $3  }
0x3a: {  	_ = 	snop  }
0x3b: {  	_ = 	snop  }
0x3c: {  	p2 =	seq.s32 s10, $0x1;
	s10 =	sld [smem:$0x3FBA]  }
0x3d: {  	_ =	shalt  }
0x3e: {  	_ =	shalt  }
0x3f: {  	_ =	shalt  }
0x40: {  	_ =	shalt  }
0x41: {  	_ =	shalt  }
0x42: {  	_ =	shalt  }
0x43: {  	_ =	shalt  }
0x44: {  	_ =	shalt  }
0x45: {  	_ =	shalt  }
0x46: {  	_ =	shalt  }
0x47: {  	_ =	shalt  }
0x48: {  	_ =	shalt  }
0x49: {  	_ =	shalt  }
0x4a: {  	_ =	shalt  }
0x4b: {  	_ =	shalt  }
0x4c: {  	_ =	shalt  }
0x4d: {  	_ =	shalt  }
0x4e: {  	_ =	shalt  }
0x4f: {  	_ =	shalt  }
0x50: {  	_ =	shalt  }
0x51: {  	_ =	shalt  }
0x52: {  	_ =	shalt  }
0x53: {  	_ =	shalt  }
0x54: {  	_ =	shalt  }
0x55: {  	_ =	shalt  }
0x56: {  	_ =	shalt  }
0x57: {  	_ =	shalt  }
0x58: {  	_ =	shalt  }
0x59: {  	_ =	shalt  }
0x5a: {  	_ =	shalt  }
0x5b: {  	_ =	shalt  }
0x5c: {  	_ =	shalt  }
0x5d: {  	_ =	shalt  }
0x5e: {  	_ =	shalt  }
0x5f: {  	_ =	shalt  }
0x60: {  	_ =	shalt  }
0x61: {  	_ =	shalt  }
0x62: {  	_ =	shalt  }
0x63: {  	_ =	shalt  }
0x64: {  	_ =	shalt  }
0x65: {  	_ =	shalt  }
0x66: {  	_ =	shalt  }
0x67: {  	_ =	shalt  }
0x68: {  	_ =	shalt  }
0x69: {  	_ =	shalt  }
0x6a: {  	_ =	shalt  }
0x6b: {  	_ =	shalt  }
0x6c: {  	_ =	shalt  }
0x6d: {  	_ =	shalt  }
0x6e: {  	_ =	shalt  }
0x6f: {  	_ =	shalt  }
0x70: {  	_ =	shalt  }
0x71: {  	_ =	shalt  }
0x72: {  	_ =	shalt  }
0x73: {  	_ =	shalt  }
0x74: {  	_ =	shalt  }
0x75: {  	_ =	shalt  }
0x76: {  	_ =	shalt  }
0x77: {  	_ =	shalt  }
0x78: {  	_ =	shalt  }
0x79: {  	_ =	shalt  }
0x7a: {  	_ =	shalt  }
0x7b: {  	_ =	shalt  }
0x7c: {  	_ =	shalt  }
0x7d: {  	_ =	shalt  }
0x7e: {  	_ =	shalt  }
0x7f: {  	_ =	shalt  }
0x80: {  	_ =	shalt  }
0x81: {  	_ =	shalt  }
0x82: {  	_ =	shalt  }
0x83: {  	_ =	shalt  }
0x84: {  	_ =	shalt  }
0x85: {  	_ =	shalt  }
0x86: {  	_ =	shalt  }
0x87: {  	_ =	shalt  }
.Lfunc_end0:
.L_simem_size_0:
called_computation_lowered:
.L_overlay_start_0:
0x88: {  	s2 =	sld [smem:$0x3FD9]  }
0x89: {  	s3 =	sld [smem:$0x3FFE];
	_ =	sdelay $0x1  }
0x8a: {  	s1 =	srdreg.scid  }
0x8b: {  	s0 =	sand.u32 $0x1, s1  }
0x8c: {  	s16 =	sshll.u32 s0, $0xA;
	s2 =	sadd.s32 s3, s2  }
0x8d: {  	s2 =	sadd.s32 s2, s16  }
0x8e: {  	[smem:$0x3FC6] =	sst s2  }
0x8f: {  	_ = 	snop  }
0x90: {  	(tm) =	ssettm $0x1  }
0x91: {  	s17 =	sld [smem:$0x3FFB];
	_ =	sdelay $0x3  }
0x92: {  	_ =	strace s17  }
0x93: {  	s2 =	sld [smem:$0x3FFC];
	_ =	sdelay $0x3  }
0x94: {  	_ =	strace s2  }
0x95: {  	s2 =	sld [smem:$0x3FFD];
	_ =	sdelay $0x3  }
0x96: {  	_ =	strace s2  }
0x97: {  	_ =	strace $0x8FFFFFFF  }
0x98: {  	s18 =	sld [smem:$0x3FDB];
	_ =	sdelay $0x1  }
0x99: {  	s19 =	simm.s32 $_scs_section_size  }
0x9a: {  	s4 =	simm.s32 $_size__tile_overlayer_lowered;
	s5 =	simm.s32 $_tile_overlayer_lowered  }
0x9b: {  	s22 =	simm.s32 $0x1BFF;
	s21 =	sshll.u32 s5, $0x1;
	s2 =	sadd.s32 s19, s18  }
0x9c: {  	s6 =	simm.s32 $0x0;
	s20 =	sshll.u32 s4, $0x1;
	s4 =	sadd.s32 s21, s2  }
0x9d: {  	[timem:s6], [sflag:s22] =	dma.local [hbm:s4], s20  }
0x9e: {  	_ =	swait.ge [sflag:s22], s20  }
0x9f: {  	s3 =	ssub.s32 $0x0, s20;
	[sflag:s22] =	ssyncset.done $0x0  }
0xa0: {  	[sflag:s22] =	ssyncadd.s32 s3;
	_ =	sdelay $0x1  }
0xa1: {  	s23 =	simm.s32 $0x1B8B  }
0xa2: {  	_ =	swait.ge [sflag:s23], $0x1  }
0xa3: {  	[sflag:s23] =	ssyncset.done $0x0  }
0xa4: {  	s25 =	simm.s32 $0x1B8E;
	s24 =	sld [smem:$0x3FFE];
	[sflag:s23] =	ssyncadd.s32 $0xFFFFFFFF  }
0xa5: {  	s26 =	simm.s32 $execute0_lowered;
	[smem:$0x3FD2] =	sst s25  }
0xa6: {  	s4 =	sshll.u32 s26, $0x1;
	_ =	strace $0x80000049;
	[dreg:$0x1] =	wrdreg $0xFFFFFFFF  }
0xa7: {  	s28 =	simm.s32 $_size_execute0_lowered;
	s2 =	sadd.s32 s2, s4;
	[dreg:$0x0] =	wrdreg $0x0  }
0xa8: {  	s4 =	sshll.u32 s28, $0x1;
	[dreg:$0x2] =	wrdreg s2  }
0xa9: {  	[dreg:$0x3] =	wrdreg s4  }
0xaa: {  	[dreg:$0x4] =	wrdreg $0xC0  }
0xab: {  	_ =	task [dreg:s6], $0x5FFFF  }
0xac: {  	[dreg:$0x1] =	wrdreg $0xFFFFFFFF  }
0xad: {  	[dreg:$0x0] =	wrdreg $0x60  }
0xae: {  	[dreg:$0x2] =	wrdreg s24  }
0xaf: {  	[dreg:$0x3] =	wrdreg $0x9  }
0xb0: {  	_ =	task.clear_ibuf [dreg:s6], $0x4FFFF;
	_ =	strace $0x90000049  }
0xb1: {  	s29 =	simm.s32 $0x9;
	_ =	strace $0x8000004B  }
0xb2: {  	_ =	swait.ge [sflag:s29], $0x1  }
0xb3: {  	[sflag:s29] =	ssyncadd.s32 $0xFFFFFFFF  }
0xb4: {  	_ =	strace $0x9000004B  }
0xb5: {  	_ =	sfence  }
0xb6: {  	s30 =	sld [smem:$0x0];
	_ =	sdelay $0x2  }
0xb7: {  	s31 =	sshll.u32 s1, $0xD;
	s1 =	sshrl.u32 s1, $0x2  }
0xb8: {  	s3 =	sand.u32 $0x4000, s31;
	s1 =	sadd.s32 s1, s30  }
0xb9: {  	s0 =	sor.u32 s3, s0;
	s1 =	sshll.u32 s1, $0x11  }
0xba: {  	s0 =	sor.u32 s1, s0  }
0xbb: {  	s0 =	sadd.s32 $0x8F2B, s0  }
0xbc: {  	[sflag:s0] =	ssyncadd.remote.s32 $0x1  }
0xbd: {  	_ =	sfence.sel $0xFFFF  }
0xbe: {  	[dreg:$0x0] =	wrdreg $0xFFFFFFFF;
	(pc) =	sbr.abs _section_cstart, $3  }
0xbf: {  	[dreg:$0x1] =	wrdreg $0xFFFFFFFF  }
0xc0: {  	_ =	task.clear_ibuf [dreg:s6], $0x2FFFF;
	_ =	strace $0x9FFFFFFF  }
0xc1: {  	(tm) =	ssettm $0x7FFFFFFF  }
tec
execute0_lowered:
.L_overlay_start_1:
0x0: {  	(tag) =	ssettag $0x1  }
0x1: {  	s7 =	rddreg [dreg:$0x0]  }
0x2: {  	s0 =	rddreg [dreg:$0x1];
	_ =	strace $0x8000004A  }
0x3: {  	s1 =	srdreg.scid;
	s4 =	simm.s32 $0x1;
	s9 =	simm.s32 $0x3  }
0x4: {  	s11 =	simm.s32 $0x0;
	p0 =	por $0x0, $0x0;
	s5 =	sshll.u32 s1, $0x4  }
.Ltmp0:
0x5: {  	s1 =	stileid.u32;
	s5 =	sand.u32 $0x10, s5;
	(pc) =	sbr.rel .LBB2_1-.Ltmp0, $4  }
0x6: {  	s2 =	sadd.s32 $0x4000, s7;
	s3 =	sadd.s32 $0x3000, s7;
	s6 =	sor.u32 s1, s5  }
0x7: {  	[sflag:s4] =	ssyncpa.u1 $0x0;
	s5 =	simm.s32 $0x2;
	s6 =	sshll.u32 s6, $0x9  }
0x8: {  	s7 =	sadd.s32 $0x13C800, s7;
	[sflag:s5] =	ssyncpa.u1 $0x0;
	s8 =	sadd.s32 $0x200, s6  }
0x9: {  	vm0 =	vmmov $0xff;
	vm1 =	vcmask $0x3F20;
	[sflag:s9] =	ssyncpa.u1 $0x0;
	s10 =	smov.u32 s6;
	s9 =	simm.s32 $0x0  }
.LBB2_7:
0xa: {  	p1 =	slt.u32 s9, $0x2;
	s11 =	sadd.s32 $0x100, s10  }
0xb: {  	s13 =	smov.u32 s6;
	s9 =	sadd.s32 $0x1, s9;
	p2 =	slt.s32 s11, s8  }
0xc: {  	s13 =	smov.u32 @p2 s11;
	p2 =	sne.s32 s9, $0x4  }
.Ltmp1:
0xd: {  	_ = 	snop;
	(pc) =	sbr.rel @!p2 .LBB2_8-.Ltmp1, $4  }
0xe: {  	s12 =	simm.s32 @!p1 $0x3  }
0xf: {  	_ =	swait.ge @!p1 [sflag:s12], $0x8000  }
0x10: {  	p0 =	por !p0, !p0;
	[sflag:s12] =	ssyncset.done @!p1 $0x0  }
0x11: {  	s11 =	smov.u32 s10;
	s10 =	smov.u32 s13;
	[sflag:s12] =	ssyncadd.s32 @!p1 $0xFFFF8000  }
.LBB2_1:
0x12: {  	p1 =	sgt.u32 s9, $0x1  }
0x13: {  	s12 =	sshll.u32 @!p1 s9, $0x8;
	s13 =	sshrl.u32 @!p1 s10, $0x3  }
0x14: {  	s14 =	sand.u32 @!p1 $0x7, s10;
	s12 =	sxor.u32 @!p1 $0x100, s12;
	s13 =	sadd.s32 @!p1 s3, s13  }
0x15: {  	[tilespmem:s12], [sflag:$0x2] =	stream.linear.gather @!p1 [hbm4b:s13+s14], $0x100, $0x38;
	[tilespmem:$0x10200] =	vst v63  }
0x16: {  	p1 =	seq.s32 s9, $0x0  }
0x17: {  	p2 =	seq.s32 @!p1 s9, $0x3  }
0x18: {  	p1 =	por p1, p2  }
.Ltmp2:
0x19: {  	_ = 	snop;
	(pc) =	sbr.rel @p1 .LBB2_7-.Ltmp2, $1  }
0x1a: {  	_ =	sdelay $0x3  }
0x1b: {  	s12 =	simm.s32 $0x1  }
0x1c: {  	_ =	swait.ge [sflag:s5], $0x100;
	s12 =	simm.s32 @!p0 $0x0  }
0x1d: {  	[sflag:s5] =	ssyncset.done $0x0;
	s14 =	sshll.u32 s12, $0x8  }
0x1e: {  	[sflag:s5] =	ssyncadd.s32 $0xFFFFFF00;
	s13 =	sadd.s32 $0x0, s14  }
0x1f: {  	v0 =	vld.msk [tilespmem:s13+$0x0 ss:$0x1], $0xffff;
	_ =	sdelay $0x4  }
0x20: {  	v1 =	vand.u32 $0x3, v0;
	v2 =	vshll.u32 v0, $0x5  }
0x21: {  	vm2 =	veq.s32 v0, $0x80000000;
	v0 =	vmul.u32 $0x271000, v1;
	v1 =	vand.u32 $0x3FFF80, v2  }
0x22: {  	v1 =	vsel vm2, $0xFFFFFF80, v1  }
0x23: {  	v0 =	vsel vm2, $0xFFD8F000, v0;
	v2 =	vand.u32 $0xFFFFFC00, v1  }
0x24: {  	v1 =	vand.u32 $0x380, v1;
	v0 =	vadd.s32 v0, v2  }
0x25: {  	v0 =	vor.u32 v1, v0  }
0x26: {  	v0 =	vshrl.u32 v0, $0x3;
	_ =	sdelay $0x2  }
0x27: {  	s12 =	sshll.u32 s12, $0xF  }
0x28: {  	s12 =	sor.u32 $0x200, s12  }
0x29: {  	[tilespmem:s12], [sflag:$0x1] =	stream.indirect_vreg.gather [hbm:s2], $0x80, v0, vm0, $0x38;
	[tilespmem:$0x10200] =	vst v63  }
0x2a: {  	s15 =	sadd.s32 $0x10, s14;
	s13 =	sadd.s32 $0x400, s12  }
0x2b: {  	[tilespmem:s13], [sflag:$0x1] =	stream.indirect_vreg.gather [hbm:s2], $0x80, v0, vm1, $0x38;
	[tilespmem:$0x10200] =	vst v63  }
0x2c: {  	s16 =	simm.s32 $0x80;
	v0 =	vld.msk [tilespmem:s15+$0x0 ss:$0x1], $0xffff;
	s15 =	smov.u32 s12  }
.LBB2_3:
0x2d: {  	p1 =	sne.s32 s16, $0x3C0;
	_ =	sdelay $0x4  }
0x2e: {  	v1 =	vand.u32 $0x3, v0;
	v2 =	vshll.u32 v0, $0x5  }
0x2f: {  	vm2 =	veq.s32 v0, $0x80000000;
	v0 =	vmul.u32 $0x271000, v1;
	v1 =	vand.u32 $0x3FFF80, v2  }
0x30: {  	v1 =	vsel vm2, $0xFFFFFF80, v1  }
0x31: {  	v0 =	vsel vm2, $0xFFD8F000, v0;
	v2 =	vand.u32 $0xFFFFFC00, v1  }
0x32: {  	v1 =	vand.u32 $0x380, v1;
	v0 =	vadd.s32 v0, v2  }
0x33: {  	v0 =	vor.u32 v1, v0  }
0x34: {  	v0 =	vshrl.u32 v0, $0x3;
	_ =	sdelay $0x3  }
.Ltmp3:
0x35: {  	s17 =	sshra.s32 s16, $0x2;
	s15 =	sadd.s32 $0x800, s15;
	(pc) =	sbr.rel @p1 .LBB2_3-.Ltmp3, $4  }
0x36: {  	[tilespmem:s15], [sflag:$0x1] =	stream.indirect_vreg.gather [hbm:s2], $0x80, v0, vm0, $0x38;
	[tilespmem:$0x10200] =	vst v63  }
0x37: {  	s17 =	sadd.s32 s17, s14;
	s18 =	sadd.s32 $0x400, s15  }
0x38: {  	[tilespmem:s18], [sflag:$0x1] =	stream.indirect_vreg.gather [hbm:s2], $0x80, v0, vm1, $0x38;
	[tilespmem:$0x10200] =	vst v63  }
0x39: {  	s16 =	sadd.s32 $0x40, s16;
	v0 =	vld.msk [tilespmem:s17+$0x0 ss:$0x1], $0xffff  }
0x3a: {  	_ =	sdelay $0x3  }
0x3b: {  	v1 =	vand.u32 $0x3, v0;
	v2 =	vshll.u32 v0, $0x5  }
0x3c: {  	vm2 =	veq.s32 v0, $0x80000000;
	v61 =	vmul.u32 $0x271000, v1;
	v62 =	vand.u32 $0x3FFF80, v2  }
0x3d: {  	v1 =	vsel vm2, $0xFFFFFF80, v62  }
0x3e: {  	v0 =	vsel vm2, $0xFFD8F000, v61;
	v63 =	vand.u32 $0xFFFFFC00, v1  }
0x3f: {  	v1 =	vand.u32 $0x380, v1;
	v0 =	vadd.s32 v0, v63  }
0x40: {  	v0 =	vor.u32 v1, v0  }
0x41: {  	v0 =	vshrl.u32 v0, $0x3;
	_ =	sdelay $0x3  }
0x42: {  	s14 =	sadd.s32 $0x800, s15  }
0x43: {  	[tilespmem:s14], [sflag:$0x1] =	stream.indirect_vreg.gather [hbm:s2], $0x80, v0, vm0, $0x38;
	[tilespmem:$0x10200] =	vst v63  }
0x44: {  	s14 =	sadd.s32 $0x400, s14  }
0x45: {  	[tilespmem:s14], [sflag:$0x1] =	stream.indirect_vreg.gather [hbm:s2], $0x80, v0, vm1, $0x38;
	[tilespmem:$0x10200] =	vst v63  }
0x46: {  	s11 =	sshll.u32 s11, $0x4;
	_ =	swait.ge [sflag:s4], $0x8000  }
0x47: {  	s11 =	sadd.s32 s11, s7;
	[sflag:s4] =	ssyncset.done $0x0  }
0x48: {  	s15 =	sadd.s32 $0x0, s11;
	s14 =	simm.s32 $0x80;
	[sflag:s4] =	ssyncadd.s32 $0xFFFF8000  }
.LBB2_5:
0x49: {  	[hbm:s15] =	stream.linear.scatter [tilespmem:s12], [sflag:$0x3], $0x400, $0x38;
	[tilespmem:$0x10200] =	vst v63  }
0x4a: {  	s15 =	smov.u32 s14;
	s12 =	smov.u32 s13;
	p1 =	sne.s32 s14, $0xF80  }
.Ltmp4:
0x4b: {  	s14 =	sadd.s32 $0x80, s14;
	(pc) =	sbr.rel @p1 .LBB2_5-.Ltmp4, $2  }
0x4c: {  	_ =	sdelay $0x2  }
0x4d: {  	s13 =	sadd.s32 $0x400, s13;
	s15 =	sadd.s32 s15, s11  }
.Ltmp5:
0x4e: {  	(pc) =	sbr.rel .LBB2_7-.Ltmp5, $2  }
0x4f: {  	_ =	sdelay $0x2  }
0x50: {  	[hbm:s15] =	stream.linear.scatter [tilespmem:s12], [sflag:$0x3], $0x400, $0x38;
	[tilespmem:$0x10200] =	vst v63  }
.LBB2_8:
0x51: {  	_ =	sfence.sel $0x180000  }
0x52: {  	s2 =	simm.s32 $0x2;
	[bflag:$0x0] =	sbarrier.arrive $0xFFFF  }
0x53: {  	s30 =	simm.s32 $0x3;
	[sflag:s2] =	ssyncpa.u1 $0x1  }
0x54: {  	s31 =	simm.s32 $0x1;
	[sflag:s30] =	ssyncpa.u1 $0x1  }
0x55: {  	[sflag:s31] =	ssyncpa.u1 $0x1  }
0x56: {  	p0 =	sne.s32 s1, $0x0;
	_ =	strace $0x9000004A  }
0x57: {  	s0 =	sadd.s32 @!p0 $0x100000, s0;
	[bflag:$0x2] =	sbarrier.arrive $0xFFFF  }
0x58: {  	[sflag:s0] =	ssyncadd.tile.s32 @!p0 $0x1;
	_ =	shalt  }
.Lfunc_end2:
_tile_overlayer_lowered:
.L_overlay_start_2:
0x59: {  	(tag) =	ssettag $0x2  }
0x5a: {  	s0 =	rddreg [dreg:$0x0];
	s2 =	stileid.u32  }
0x5b: {  	s1 =	rddreg [dreg:$0x1];
	p0 =	sne.s32 s2, $0x0  }
0x5c: {  	s3 =	rddreg [dreg:$0x2];
	[bflag:$0x3] =	sbarrier.arrive $0xFFFF;
	s2 =	simm.s32 @!p0 $0x1C01  }
0x5d: {  	[timem:s3], [sflag:s2] =	dma.local @!p0 [hbm:s0], s1  }
0x5e: {  	s0 =	simm.s32 @!p0 $0x1  }
0x5f: {  	_ =	swait.ge @!p0 [sflag:s0], s1  }
0x60: {  	s1 =	ssub.s32 @!p0 $0x0, s1;
	[sflag:s0] =	ssyncset.done @!p0 $0x0  }
0x61: {  	[sflag:s0] =	ssyncadd.s32 @!p0 s1  }
0x62: {  	[bflag:$0x3] =	sbarrier.arrive $0xFFFF  }
0x63: {  	_ =	shalt  }

</sc_bundles>
